<compile_context>
chip_gen: v7x
topology: tpu7x:2x2x1
jax: 0.10.2.dev20260603
libtpu: 0.0.44.dev20260713+nightly
codegen_flags: <defaults>
</compile_context>

<pallas_src>
import functools
import jax
import jax.numpy as jnp
from jax import lax
from jax.experimental import pallas as pl
from jax.experimental.pallas import tpu as pltpu
from jax.experimental.pallas import tpu_sc as plsc

N_NODES = 10000
N_SUB = 16
EDGE_VALID = 10000
EDGE_SLOTS = 10240
N_ACC = 10240
ROWS_PER_SUB = N_ACC // 16


def _lrelu(x, slope):
    return jnp.where(x >= 0, x, slope * x)


def _pad_p(dout):
    h = ((dout // 2) // 16 + 1) * 16
    return 2 * h


def _dense_body(x_ref, w_ref, as_ref, ad_ref, l_ref, h_ref, aa_ref, r_ref,
                cv_ref, c11_ref):
    x = x_ref[...]
    h = jnp.dot(x, w_ref[...], preferred_element_type=jnp.float32)
    h_ref[...] = h
    asrc = jnp.dot(h, as_ref[...], preferred_element_type=jnp.float32)
    adst = jnp.dot(h, ad_ref[...], preferred_element_type=jnp.float32)
    aa_ref[...] = jnp.concatenate([asrc, adst], axis=1)
    if l_ref is not None:
        r_ref[...] = jnp.dot(x, l_ref[...], preferred_element_type=jnp.float32)
    c = jnp.max(asrc) + jnp.max(adst)
    c = jnp.where(c >= 0, c, 0.2 * c)
    cv_ref[...] = jnp.full((16,), c, jnp.float32)
    c11_ref[...] = c.reshape(1, 1)


def _dense_layer(x, Wp, a_sp, a_dp, L):
    N = x.shape[0]
    P = Wp.shape[1]
    has_l = L is not None
    outs = [
        jax.ShapeDtypeStruct((N, P), jnp.float32),
        jax.ShapeDtypeStruct((N, 2), jnp.float32),
        jax.ShapeDtypeStruct((N, L.shape[1] if has_l else 1), jnp.float32),
        jax.ShapeDtypeStruct((16,), jnp.float32),
        jax.ShapeDtypeStruct((1, 1), jnp.float32),
    ]
    body = _dense_body if has_l else (
        lambda x_ref, w_ref, as_ref, ad_ref, h_ref, aa_ref, r_ref, cv_ref,
        c11_ref: _dense_body(x_ref, w_ref, as_ref, ad_ref, None, h_ref,
                             aa_ref, r_ref, cv_ref, c11_ref))
    args = (x, Wp, a_sp, a_dp) + ((L,) if has_l else ())
    return pl.pallas_call(body, out_shape=outs)(*args)


@functools.partial(jax.jit, static_argnames=("H", "dout", "BLK"))
def _sc_edge(h2, asrc, adst, cvec, src3, dst3, *, H, dout, BLK):
    mesh = plsc.VectorSubcoreMesh(core_axis_name="c", subcore_axis_name="s",
                                  num_cores=2)
    nvec = H // 16
    NBLK = EDGE_SLOTS // BLK

    @functools.partial(
        pl.kernel,
        out_type=jax.ShapeDtypeStruct((2, N_ACC, H), jnp.float32),
        mesh=mesh,
        scratch_types=[
            pltpu.VMEM((N_NODES,), jnp.float32),
            pltpu.VMEM((N_NODES,), jnp.float32),
            pltpu.VMEM((16,), jnp.float32),
            pltpu.VMEM((NBLK + 1, BLK), jnp.int32),
            pltpu.VMEM((NBLK + 1, BLK), jnp.int32),
            pltpu.VMEM((BLK,), jnp.float32),
            pltpu.VMEM((BLK,), jnp.float32),
            pltpu.VMEM((BLK, H), jnp.float32),
            pltpu.VMEM((BLK, H), jnp.float32),
            pltpu.VMEM_SHARED((N_ACC, H), jnp.float32),
            pltpu.SemaphoreType.DMA,
            pltpu.SemaphoreType.DMA,
        ],
        compiler_params=pltpu.CompilerParams(needs_layout_passes=False,
                                             use_tc_tiling_on_sc=False),
    )
    def k(h_hbm, asrc_hbm, adst_hbm, c_hbm, src_hbm, dst_hbm, out_hbm,
          asrc_v, adst_v, cv_v, src_v, dst_v, ex_a, ex_b, rows_a, rows_b,
          acc_sh, sem0, sem1):
        c = lax.axis_index("c")
        s = lax.axis_index("s")
        pltpu.sync_copy(asrc_hbm, asrc_v)
        pltpu.sync_copy(adst_hbm, adst_v)
        pltpu.sync_copy(c_hbm, cv_v)
        pltpu.sync_copy(src_hbm.at[s], src_v)
        pltpu.sync_copy(dst_hbm.at[s], dst_v)

        def zbody(i, _):
            for j in range(nvec):
                rows_a[i, pl.ds(j * 16, 16)] = jnp.zeros((16,), jnp.float32)
            return 0
        lax.fori_loop(0, BLK, zbody, 0)
        base = s * ROWS_PER_SUB
        for t in range(ROWS_PER_SUB // BLK):
            pltpu.sync_copy(rows_a, acc_sh.at[pl.ds(base + t * BLK, BLK)])
        plsc.subcore_barrier()

        cv = cv_v[...]
        colbase = c * H
        dmasks = [(colbase + j * 16 + lax.iota(jnp.int32, 16)) == dout
                  for j in range(nvec)]

        def compute_ex(b, ex_v):
            for j in range(BLK // 16):
                s16 = src_v[b, pl.ds(j * 16, 16)]
                d16 = dst_v[b, pl.ds(j * 16, 16)]
                a1 = plsc.load_gather(asrc_v, [s16])
                a2 = plsc.load_gather(adst_v, [d16])
                e = a1 + a2
                e = jnp.where(e >= 0, e, 0.2 * e) - cv
                ex = jnp.exp(e)
                gid = b * BLK + j * 16 + lax.iota(jnp.int32, 16)
                ex = jnp.where(gid < EDGE_VALID, ex, 0.0)
                ex_v[pl.ds(j * 16, 16)] = ex

        def start_gather(b, rows_v, sem):
            pltpu.async_copy(h_hbm.at[c].at[src_v.at[b]], rows_v, sem)

        def wait_gather(b, rows_v, sem):
            pltpu.make_async_copy(h_hbm.at[c].at[src_v.at[b]], rows_v,
                                  sem).wait()

        def process(b, ex_v, rows_v, sem, ex_n, rows_n, sem_n):
            compute_ex(b + 1, ex_n)
            start_gather(b + 1, rows_n, sem_n)
            wait_gather(b, rows_v, sem)

            def sbody(i2, _):
                for u in range(2):
                    i = 2 * i2 + u
                    exb = plsc.load_gather(
                        ex_v, [jnp.full((16,), i, jnp.int32)])
                    for j in range(nvec):
                        v = rows_v[i, pl.ds(j * 16, 16)] * exb
                        v = jnp.where(dmasks[j], exb, v)
                        rows_v[i, pl.ds(j * 16, 16)] = v
                return 0
            lax.fori_loop(0, BLK // 2, sbody, 0)
            pltpu.sync_copy(rows_v, acc_sh.at[dst_v.at[b]], add=True)

        compute_ex(0, ex_a)
        start_gather(0, rows_a, sem0)

        def pair(k2, _):
            process(2 * k2, ex_a, rows_a, sem0, ex_b, rows_b, sem1)
            process(2 * k2 + 1, ex_b, rows_b, sem1, ex_a, rows_a, sem0)
            return 0
        lax.fori_loop(0, NBLK // 2, pair, 0)
        wait_gather(NBLK, rows_a, sem0)

        plsc.subcore_barrier()
        for t in range(ROWS_PER_SUB // BLK):
            pltpu.sync_copy(acc_sh.at[pl.ds(base + t * BLK, BLK)],
                            out_hbm.at[c, pl.ds(base + t * BLK, BLK)])

    return k(h2, asrc, adst, cvec, src3, dst3)


def _norm_layer(o0, o1, h, aa, c11, r, b2, lb2, dout):
    N, P = h.shape
    H = P // 2
    has_l = r is not None
    RB = 2000
    grid = (N // RB,)

    def body(*refs):
        if has_l:
            o0_ref, o1_ref, h_ref, aa_ref, c_ref, r_ref, b_ref, lb_ref, out_ref = refs
        else:
            o0_ref, o1_ref, h_ref, aa_ref, c_ref, b_ref, out_ref = refs
        es = jnp.exp(_lrelu(aa_ref[:, 0:1] + aa_ref[:, 1:2], 0.2) - c_ref[0, 0])
        acc = jnp.concatenate([o0_ref[...], o1_ref[...]], axis=1)
        acc = acc + es * h_ref[...]
        denom = acc[:, dout:dout + 1] + es
        g = acc[:, 0:dout] / denom + b_ref[...]
        if has_l:
            out_ref[...] = _lrelu(g, 0.01) + r_ref[...] + lb_ref[...]
        else:
            out_ref[...] = g

    rowspec = lambda w: pl.BlockSpec((RB, w), lambda i: (i, 0))
    fixspec = lambda a, b: pl.BlockSpec((a, b), lambda i: (0, 0))
    in_specs = [rowspec(H), rowspec(H), rowspec(P), rowspec(2), fixspec(1, 1)]
    args = [o0, o1, h, aa, c11]
    if has_l:
        in_specs += [rowspec(r.shape[1]), fixspec(1, dout), fixspec(1, dout)]
        args += [r, b2, lb2]
    else:
        in_specs += [fixspec(1, dout)]
        args += [b2]
    return pl.pallas_call(
        body, grid=grid, in_specs=in_specs,
        out_specs=rowspec(dout),
        out_shape=jax.ShapeDtypeStruct((N, dout), jnp.float32))(*args)


def kernel(x, edge_index,
           W1, as1, ad1, b1, L1, lb1,
           W2, as2, ad2, b2, L2, lb2,
           W3, as3, ad3, b3, L3, lb3,
           W4, as4, ad4, b4, L4, lb4,
           W5, as5, ad5, b5, L5, lb5,
           W6, as6, ad6, b6, L6, lb6,
           W7, as7, ad7, b7):
    src = edge_index[0].astype(jnp.int32)
    dst = edge_index[1].astype(jnp.int32)
    padw = EDGE_SLOTS - EDGE_VALID + 256
    padv = (jnp.arange(N_SUB * padw, dtype=jnp.int32) % N_NODES).reshape(
        N_SUB, padw)
    src2 = jnp.concatenate([src.reshape(N_SUB, EDGE_VALID), padv], axis=1)
    dst2 = jnp.concatenate([dst.reshape(N_SUB, EDGE_VALID), padv], axis=1)

    p = {
        "W1": W1, "as1": as1, "ad1": ad1, "b1": b1, "L1": L1, "lb1": lb1,
        "W2": W2, "as2": as2, "ad2": ad2, "b2": b2, "L2": L2, "lb2": lb2,
        "W3": W3, "as3": as3, "ad3": ad3, "b3": b3, "L3": L3, "lb3": lb3,
        "W4": W4, "as4": as4, "ad4": ad4, "b4": b4, "L4": L4, "lb4": lb4,
        "W5": W5, "as5": as5, "ad5": ad5, "b5": b5, "L5": L5, "lb5": lb5,
        "W6": W6, "as6": as6, "ad6": ad6, "b6": b6, "L6": L6, "lb6": lb6,
        "W7": W7, "as7": as7, "ad7": ad7, "b7": b7,
    }
    h = x
    for li in range(1, 8):
        W = p[f"W{li}"]
        dout = W.shape[1]
        P = _pad_p(dout)
        H = P // 2
        Wp = jnp.pad(W, ((0, 0), (0, P - dout)))
        a_sp = jnp.pad(p[f"as{li}"], (0, P - dout)).reshape(P, 1)
        a_dp = jnp.pad(p[f"ad{li}"], (0, P - dout)).reshape(P, 1)
        has_l = li < 7
        L = p[f"L{li}"] if has_l else None
        hW, aa, r, cvec, c11 = _dense_layer(h, Wp, a_sp, a_dp, L)
        h2 = jnp.stack([hW[:, :H], hW[:, H:]])
        blk = 64 if H > 64 else 128
        nblk = EDGE_SLOTS // blk
        cols = EDGE_SLOTS + blk
        src3 = src2[:, :cols].reshape(N_SUB, nblk + 1, blk)
        dst3 = dst2[:, :cols].reshape(N_SUB, nblk + 1, blk)
        o2 = _sc_edge(h2, aa[:, 0], aa[:, 1], cvec, src3, dst3,
                      H=H, dout=dout, BLK=blk)
        b2 = p[f"b{li}"].reshape(1, dout)
        if has_l:
            h = _norm_layer(o2[0], o2[1], hW, aa, c11, r, b2,
                            p[f"lb{li}"].reshape(1, dout), dout)
        else:
            return _norm_layer(o2[0], o2[1], hW, aa, c11, None, b2, None,
                               dout)

# --- scband reference (transcript-rebuilt; emitter-appended) ---
"""Pipeline reference for scband-swap-num-predict-gcn-57312043597872 (READ-ONLY COPY).

The authoritative reference and input builder live on the scoring server;
editing this copy changes nothing except your own understanding.
"""

import jax, jax.numpy as jnp
import numpy as np


def gat_conv(x, edge_index, W, a_src, a_dst, b):
    # PyG GATConv, heads=1, add_self_loops=True, negative_slope=0.2
    N = x.shape[0]
    loop = jnp.arange(N, dtype=edge_index.dtype)
    src = jnp.concatenate([edge_index[0], loop])
    dst = jnp.concatenate([edge_index[1], loop])
    h = x @ W                      # [N, out]
    alpha_src = h @ a_src          # [N]
    alpha_dst = h @ a_dst          # [N]
    e = alpha_src[src] + alpha_dst[dst]
    e = jax.nn.leaky_relu(e, 0.2)
    m = jax.ops.segment_max(e, dst, num_segments=N)
    m = jnp.where(jnp.isfinite(m), m, 0.0)
    ex = jnp.exp(e - m[dst])
    denom = jax.ops.segment_sum(ex, dst, num_segments=N)
    alpha = ex / (denom[dst] + 1e-16)
    msg = h[src] * alpha[:, None]
    out = jax.ops.segment_sum(msg, dst, num_segments=N)
    return out + b


def setup_inputs(seed: int = 0) -> dict:
    key = jax.random.key(seed)
    N, E, D = 10000, 160000, 256
    ks = jax.random.split(key, 40)
    x = jax.random.normal(ks[0], (N, D), dtype=jnp.float32)
    edge_index = jax.random.randint(ks[1], (2, E), 0, N, dtype=jnp.int64)
    dims = [(D, 200), (200, 200), (200, 100), (100, 100), (100, 50), (50, 50)]
    inp = {"x": x, "edge_index": edge_index}
    i = 2
    for li, (din, dout) in enumerate(dims, start=1):
        s = 1.0 / np.sqrt(din)
        inp[f"W{li}"] = jax.random.normal(ks[i], (din, dout), dtype=jnp.float32) * s; i += 1
        inp[f"as{li}"] = jax.random.normal(ks[i], (dout,), dtype=jnp.float32) * 0.1; i += 1
        inp[f"ad{li}"] = jax.random.normal(ks[i], (dout,), dtype=jnp.float32) * 0.1; i += 1
        inp[f"b{li}"] = jnp.zeros((dout,), dtype=jnp.float32)
        inp[f"L{li}"] = jax.random.normal(ks[i], (din, dout), dtype=jnp.float32) * s; i += 1
        inp[f"lb{li}"] = jnp.zeros((dout,), dtype=jnp.float32)
    out_ch = 64
    inp["W7"] = jax.random.normal(ks[i], (50, out_ch), dtype=jnp.float32) * (1.0 / np.sqrt(50)); i += 1
    inp["as7"] = jax.random.normal(ks[i], (out_ch,), dtype=jnp.float32) * 0.1; i += 1
    inp["ad7"] = jax.random.normal(ks[i], (out_ch,), dtype=jnp.float32) * 0.1
    inp["b7"] = jnp.zeros((out_ch,), dtype=jnp.float32)
    return inp


def reference(x, edge_index,
              W1, as1, ad1, b1, L1, lb1,
              W2, as2, ad2, b2, L2, lb2,
              W3, as3, ad3, b3, L3, lb3,
              W4, as4, ad4, b4, L4, lb4,
              W5, as5, ad5, b5, L5, lb5,
              W6, as6, ad6, b6, L6, lb6,
              W7, as7, ad7, b7):
    p = {
        "W1": W1, "as1": as1, "ad1": ad1, "b1": b1, "L1": L1, "lb1": lb1,
        "W2": W2, "as2": as2, "ad2": ad2, "b2": b2, "L2": L2, "lb2": lb2,
        "W3": W3, "as3": as3, "ad3": ad3, "b3": b3, "L3": L3, "lb3": lb3,
        "W4": W4, "as4": as4, "ad4": ad4, "b4": b4, "L4": L4, "lb4": lb4,
        "W5": W5, "as5": as5, "ad5": ad5, "b5": b5, "L5": L5, "lb5": lb5,
        "W6": W6, "as6": as6, "ad6": ad6, "b6": b6, "L6": L6, "lb6": lb6,
        "W7": W7, "as7": as7, "ad7": ad7, "b7": b7,
    }
    h = x
    for li in range(1, 7):
        g = gat_conv(h, edge_index, p[f"W{li}"], p[f"as{li}"], p[f"ad{li}"], p[f"b{li}"])
        h = jax.nn.leaky_relu(g, 0.01) + h @ p[f"L{li}"] + p[f"lb{li}"]
    return gat_conv(h, edge_index, p["W7"], p["as7"], p["ad7"], p["b7"])

if __name__ == "__main__":
    import jax
    _d = setup_inputs()
    print(jax.jit(kernel)(*tuple(_d.values())))

</pallas_src>

<mosaic_0001>
#map = affine_map<(d0, d1) -> (0, 0, 0)>
#map1 = affine_map<(d0, d1) -> (0)>
module attributes {stable_mosaic.version = 14 : i64} {
  func.func @k(%arg0: i32, %arg1: i32, %arg2: memref<2x10000x112xf32, #tpu.memory_space<hbm>>, %arg3: memref<10000xf32, #tpu.memory_space<hbm>>, %arg4: memref<10000xf32, #tpu.memory_space<hbm>>, %arg5: memref<16xf32, #tpu.memory_space<hbm>>, %arg6: memref<16x161x64xi32, #tpu.memory_space<hbm>>, %arg7: memref<16x161x64xi32, #tpu.memory_space<hbm>>, %arg8: memref<2x10240x112xf32, #tpu.memory_space<hbm>>, %arg9: memref<10000xf32, #tpu.memory_space<vmem>>, %arg10: memref<10000xf32, #tpu.memory_space<vmem>>, %arg11: memref<16xf32, #tpu.memory_space<vmem>>, %arg12: memref<161x64xi32, #tpu.memory_space<vmem>>, %arg13: memref<161x64xi32, #tpu.memory_space<vmem>>, %arg14: memref<64xf32, #tpu.memory_space<vmem>>, %arg15: memref<64xf32, #tpu.memory_space<vmem>>, %arg16: memref<64x112xf32, #tpu.memory_space<vmem>>, %arg17: memref<64x112xf32, #tpu.memory_space<vmem>>, %arg18: memref<10240x112xf32, #tpu.memory_space<vmem_shared>>, %arg19: memref<!tpu.dma_semaphore, #tpu.memory_space<semaphore_mem>>, %arg20: memref<!tpu.dma_semaphore, #tpu.memory_space<semaphore_mem>>) attributes {dimension_semantics = [#tpu.dimension_semantics<core_parallel>, #tpu.dimension_semantics<subcore_parallel>], iteration_bounds = array<i64: 2, 16>, scalar_prefetch = 0 : i64, scratch_operands = 12 : i64, tpu.core_type = #tpu.core_type<sc_vector_subcore>, window_params = [{transform_indices = #map}, {transform_indices = #map1}, {transform_indices = #map1}, {transform_indices = #map1}, {transform_indices = #map}, {transform_indices = #map}, {transform_indices = #map}]} {
    "tpu.region"() ({
      %run_scoped3A = tpu.sem_alloc : memref<!tpu.dma_semaphore, #tpu.memory_space<semaphore_mem>>
      tpu.enqueue_dma source(%arg3 : memref<10000xf32, #tpu.memory_space<hbm>>) target(%arg9 : memref<10000xf32, #tpu.memory_space<vmem>>) target_semaphore(%run_scoped3A : memref<!tpu.dma_semaphore, #tpu.memory_space<semaphore_mem>>)
      tpu.wait_dma2 semaphore(%run_scoped3A : memref<!tpu.dma_semaphore, #tpu.memory_space<semaphore_mem>>) src(%arg3 : memref<10000xf32, #tpu.memory_space<hbm>>) dst(%arg9 : memref<10000xf32, #tpu.memory_space<vmem>>)
      tpu.yield
    }) : () -> ()
    "tpu.region"() ({
      %run_scoped3A = tpu.sem_alloc : memref<!tpu.dma_semaphore, #tpu.memory_space<semaphore_mem>>
      tpu.enqueue_dma source(%arg4 : memref<10000xf32, #tpu.memory_space<hbm>>) target(%arg10 : memref<10000xf32, #tpu.memory_space<vmem>>) target_semaphore(%run_scoped3A : memref<!tpu.dma_semaphore, #tpu.memory_space<semaphore_mem>>)
      tpu.wait_dma2 semaphore(%run_scoped3A : memref<!tpu.dma_semaphore, #tpu.memory_space<semaphore_mem>>) src(%arg4 : memref<10000xf32, #tpu.memory_space<hbm>>) dst(%arg10 : memref<10000xf32, #tpu.memory_space<vmem>>)
      tpu.yield
    }) : () -> ()
    "tpu.region"() ({
      %run_scoped3A = tpu.sem_alloc : memref<!tpu.dma_semaphore, #tpu.memory_space<semaphore_mem>>
      tpu.enqueue_dma source(%arg5 : memref<16xf32, #tpu.memory_space<hbm>>) target(%arg11 : memref<16xf32, #tpu.memory_space<vmem>>) target_semaphore(%run_scoped3A : memref<!tpu.dma_semaphore, #tpu.memory_space<semaphore_mem>>)
      tpu.wait_dma2 semaphore(%run_scoped3A : memref<!tpu.dma_semaphore, #tpu.memory_space<semaphore_mem>>) src(%arg5 : memref<16xf32, #tpu.memory_space<hbm>>) dst(%arg11 : memref<16xf32, #tpu.memory_space<vmem>>)
      tpu.yield
    }) : () -> ()
    "tpu.region"() ({
      %run_scoped3A = tpu.sem_alloc : memref<!tpu.dma_semaphore, #tpu.memory_space<semaphore_mem>>
      %dma_start3A_270 = arith.constant 0 : i32
      %dma_start3A_271 = arith.constant 0 : i32
      %dma_start3A_272 = tpu.memref_slice %arg6[%arg1, %dma_start3A_270, %dma_start3A_271] : memref<16x161x64xi32, #tpu.memory_space<hbm>> -> memref<1x161x64xi32, #tpu.memory_space<hbm>>
      %dma_start3A_273 = tpu.memref_squeeze %dma_start3A_272 : memref<1x161x64xi32, #tpu.memory_space<hbm>> -> memref<161x64xi32, #tpu.memory_space<hbm>>
      %dma_start3A_274 = arith.constant 0 : i32
      %dma_start3A_275 = arith.constant 0 : i32
      %dma_start3A_276 = tpu.memref_slice %arg6[%arg1, %dma_start3A_274, %dma_start3A_275] : memref<16x161x64xi32, #tpu.memory_space<hbm>> -> memref<1x161x64xi32, #tpu.memory_space<hbm>>
      %dma_start3A_277 = tpu.memref_squeeze %dma_start3A_276 : memref<1x161x64xi32, #tpu.memory_space<hbm>> -> memref<161x64xi32, #tpu.memory_space<hbm>>
      tpu.enqueue_dma source(%dma_start3A_277 : memref<161x64xi32, #tpu.memory_space<hbm>>) target(%arg12 : memref<161x64xi32, #tpu.memory_space<vmem>>) target_semaphore(%run_scoped3A : memref<!tpu.dma_semaphore, #tpu.memory_space<semaphore_mem>>)
      %dma_wait3A_278 = arith.constant 0 : i32
      %dma_wait3A_279 = arith.constant 0 : i32
      %dma_wait3A_280 = tpu.memref_slice %arg6[%arg1, %dma_wait3A_278, %dma_wait3A_279] : memref<16x161x64xi32, #tpu.memory_space<hbm>> -> memref<1x161x64xi32, #tpu.memory_space<hbm>>
      %dma_wait3A_281 = tpu.memref_squeeze %dma_wait3A_280 : memref<1x161x64xi32, #tpu.memory_space<hbm>> -> memref<161x64xi32, #tpu.memory_space<hbm>>
      %dma_wait3A_282 = arith.constant 0 : i32
      %dma_wait3A_283 = arith.constant 0 : i32
      %dma_wait3A_284 = tpu.memref_slice %arg6[%arg1, %dma_wait3A_282, %dma_wait3A_283] : memref<16x161x64xi32, #tpu.memory_space<hbm>> -> memref<1x161x64xi32, #tpu.memory_space<hbm>>
      %dma_wait3A_285 = tpu.memref_squeeze %dma_wait3A_284 : memref<1x161x64xi32, #tpu.memory_space<hbm>> -> memref<161x64xi32, #tpu.memory_space<hbm>>
      tpu.wait_dma2 semaphore(%run_scoped3A : memref<!tpu.dma_semaphore, #tpu.memory_space<semaphore_mem>>) src(%dma_wait3A_285 : memref<161x64xi32, #tpu.memory_space<hbm>>) dst(%arg12 : memref<161x64xi32, #tpu.memory_space<vmem>>)
      tpu.yield
    }) : () -> ()
    "tpu.region"() ({
      %run_scoped3A = tpu.sem_alloc : memref<!tpu.dma_semaphore, #tpu.memory_space<semaphore_mem>>
      %dma_start3A_270 = arith.constant 0 : i32
      %dma_start3A_271 = arith.constant 0 : i32
      %dma_start3A_272 = tpu.memref_slice %arg7[%arg1, %dma_start3A_270, %dma_start3A_271] : memref<16x161x64xi32, #tpu.memory_space<hbm>> -> memref<1x161x64xi32, #tpu.memory_space<hbm>>
      %dma_start3A_273 = tpu.memref_squeeze %dma_start3A_272 : memref<1x161x64xi32, #tpu.memory_space<hbm>> -> memref<161x64xi32, #tpu.memory_space<hbm>>
      %dma_start3A_274 = arith.constant 0 : i32
      %dma_start3A_275 = arith.constant 0 : i32
      %dma_start3A_276 = tpu.memref_slice %arg7[%arg1, %dma_start3A_274, %dma_start3A_275] : memref<16x161x64xi32, #tpu.memory_space<hbm>> -> memref<1x161x64xi32, #tpu.memory_space<hbm>>
      %dma_start3A_277 = tpu.memref_squeeze %dma_start3A_276 : memref<1x161x64xi32, #tpu.memory_space<hbm>> -> memref<161x64xi32, #tpu.memory_space<hbm>>
      tpu.enqueue_dma source(%dma_start3A_277 : memref<161x64xi32, #tpu.memory_space<hbm>>) target(%arg13 : memref<161x64xi32, #tpu.memory_space<vmem>>) target_semaphore(%run_scoped3A : memref<!tpu.dma_semaphore, #tpu.memory_space<semaphore_mem>>)
      %dma_wait3A_278 = arith.constant 0 : i32
      %dma_wait3A_279 = arith.constant 0 : i32
      %dma_wait3A_280 = tpu.memref_slice %arg7[%arg1, %dma_wait3A_278, %dma_wait3A_279] : memref<16x161x64xi32, #tpu.memory_space<hbm>> -> memref<1x161x64xi32, #tpu.memory_space<hbm>>
      %dma_wait3A_281 = tpu.memref_squeeze %dma_wait3A_280 : memref<1x161x64xi32, #tpu.memory_space<hbm>> -> memref<161x64xi32, #tpu.memory_space<hbm>>
      %dma_wait3A_282 = arith.constant 0 : i32
      %dma_wait3A_283 = arith.constant 0 : i32
      %dma_wait3A_284 = tpu.memref_slice %arg7[%arg1, %dma_wait3A_282, %dma_wait3A_283] : memref<16x161x64xi32, #tpu.memory_space<hbm>> -> memref<1x161x64xi32, #tpu.memory_space<hbm>>
      %dma_wait3A_285 = tpu.memref_squeeze %dma_wait3A_284 : memref<1x161x64xi32, #tpu.memory_space<hbm>> -> memref<161x64xi32, #tpu.memory_space<hbm>>
      tpu.wait_dma2 semaphore(%run_scoped3A : memref<!tpu.dma_semaphore, #tpu.memory_space<semaphore_mem>>) src(%dma_wait3A_285 : memref<161x64xi32, #tpu.memory_space<hbm>>) dst(%arg13 : memref<161x64xi32, #tpu.memory_space<vmem>>)
      tpu.yield
    }) : () -> ()
    %scan3A = arith.constant 0 : i32
    %scan3A_0 = arith.constant 0 : i32
    %scan3A_1 = arith.constant 64 : i32
    %scan3A_2 = arith.addi %scan3A_0, %scan3A_1 : i32
    %scan3A_3 = arith.constant 1 : i32
    %scan3A_4 = scf.for %scan3A_270 = %scan3A_0 to %scan3A_2 step %scan3A_3 iter_args(%scan3A_271 = %scan3A) -> (i32)  : i32 {
      %broadcast_in_dim3A_272 = arith.constant 0.000000e+00 : f32
      %broadcast_in_dim3A_273 = vector.broadcast %broadcast_in_dim3A_272 : f32 to vector<16xf32>
      %swap3A_274 = arith.index_cast %scan3A_270 : i32 to index
      %swap3A_275 = arith.constant 0 : index
      %swap3A_276 = tpu.vector_load %arg16[%swap3A_274, %swap3A_275] {strides = array<i32>} : memref<64x112xf32, #tpu.memory_space<vmem>>, vector<16xf32>,
      tpu.vector_store %arg16[%swap3A_274, %swap3A_275], %broadcast_in_dim3A_273 {strides = array<i32>} : memref<64x112xf32, #tpu.memory_space<vmem>>, vector<16xf32>,
      %broadcast_in_dim3A_277 = arith.constant 0.000000e+00 : f32
      %broadcast_in_dim3A_278 = vector.broadcast %broadcast_in_dim3A_277 : f32 to vector<16xf32>
      %swap3A_279 = arith.index_cast %scan3A_270 : i32 to index
      %swap3A_280 = arith.constant 16 : index
      %swap3A_281 = tpu.vector_load %arg16[%swap3A_279, %swap3A_280] {strides = array<i32>} : memref<64x112xf32, #tpu.memory_space<vmem>>, vector<16xf32>,
      tpu.vector_store %arg16[%swap3A_279, %swap3A_280], %broadcast_in_dim3A_278 {strides = array<i32>} : memref<64x112xf32, #tpu.memory_space<vmem>>, vector<16xf32>,
      %broadcast_in_dim3A_282 = arith.constant 0.000000e+00 : f32
      %broadcast_in_dim3A_283 = vector.broadcast %broadcast_in_dim3A_282 : f32 to vector<16xf32>
      %swap3A_284 = arith.index_cast %scan3A_270 : i32 to index
      %swap3A_285 = arith.constant 32 : index
      %swap3A_286 = tpu.vector_load %arg16[%swap3A_284, %swap3A_285] {strides = array<i32>} : memref<64x112xf32, #tpu.memory_space<vmem>>, vector<16xf32>,
      tpu.vector_store %arg16[%swap3A_284, %swap3A_285], %broadcast_in_dim3A_283 {strides = array<i32>} : memref<64x112xf32, #tpu.memory_space<vmem>>, vector<16xf32>,
      %broadcast_in_dim3A_287 = arith.constant 0.000000e+00 : f32
      %broadcast_in_dim3A_288 = vector.broadcast %broadcast_in_dim3A_287 : f32 to vector<16xf32>
      %swap3A_289 = arith.index_cast %scan3A_270 : i32 to index
      %swap3A_290 = arith.constant 48 : index
      %swap3A_291 = tpu.vector_load %arg16[%swap3A_289, %swap3A_290] {strides = array<i32>} : memref<64x112xf32, #tpu.memory_space<vmem>>, vector<16xf32>,
      tpu.vector_store %arg16[%swap3A_289, %swap3A_290], %broadcast_in_dim3A_288 {strides = array<i32>} : memref<64x112xf32, #tpu.memory_space<vmem>>, vector<16xf32>,
      %broadcast_in_dim3A_292 = arith.constant 0.000000e+00 : f32
      %broadcast_in_dim3A_293 = vector.broadcast %broadcast_in_dim3A_292 : f32 to vector<16xf32>
      %swap3A_294 = arith.index_cast %scan3A_270 : i32 to index
      %swap3A_295 = arith.constant 64 : index
      %swap3A_296 = tpu.vector_load %arg16[%swap3A_294, %swap3A_295] {strides = array<i32>} : memref<64x112xf32, #tpu.memory_space<vmem>>, vector<16xf32>,
      tpu.vector_store %arg16[%swap3A_294, %swap3A_295], %broadcast_in_dim3A_293 {strides = array<i32>} : memref<64x112xf32, #tpu.memory_space<vmem>>, vector<16xf32>,
      %broadcast_in_dim3A_297 = arith.constant 0.000000e+00 : f32
      %broadcast_in_dim3A_298 = vector.broadcast %broadcast_in_dim3A_297 : f32 to vector<16xf32>
      %swap3A_299 = arith.index_cast %scan3A_270 : i32 to index
      %swap3A_300 = arith.constant 80 : index
      %swap3A_301 = tpu.vector_load %arg16[%swap3A_299, %swap3A_300] {strides = array<i32>} : memref<64x112xf32, #tpu.memory_space<vmem>>, vector<16xf32>,
      tpu.vector_store %arg16[%swap3A_299, %swap3A_300], %broadcast_in_dim3A_298 {strides = array<i32>} : memref<64x112xf32, #tpu.memory_space<vmem>>, vector<16xf32>,
      %broadcast_in_dim3A_302 = arith.constant 0.000000e+00 : f32
      %broadcast_in_dim3A_303 = vector.broadcast %broadcast_in_dim3A_302 : f32 to vector<16xf32>
      %swap3A_304 = arith.index_cast %scan3A_270 : i32 to index
      %swap3A_305 = arith.constant 96 : index
      %swap3A_306 = tpu.vector_load %arg16[%swap3A_304, %swap3A_305] {strides = array<i32>} : memref<64x112xf32, #tpu.memory_space<vmem>>, vector<16xf32>,
      tpu.vector_store %arg16[%swap3A_304, %swap3A_305], %broadcast_in_dim3A_303 {strides = array<i32>} : memref<64x112xf32, #tpu.memory_space<vmem>>, vector<16xf32>,
      %scan3A_307 = arith.constant 0 : i32
      scf.yield %scan3A_307 : i32
    }
    %scan3A_5 = arith.constant 64 : i32
    %mul3A = arith.constant 640 : i32
    %mul3A_6 = arith.muli %arg1, %mul3A : i32
    %add3A = arith.constant 0 : i32
    %add3A_7 = arith.addi %mul3A_6, %add3A : i32
    "tpu.region"() ({
      %run_scoped3A = tpu.sem_alloc : memref<!tpu.dma_semaphore, #tpu.memory_space<semaphore_mem>>
      %dma_start3A_270 = arith.constant 0 : i32
      %dma_start3A_271 = tpu.memref_slice %arg18[%add3A_7, %dma_start3A_270] : memref<10240x112xf32, #tpu.memory_space<vmem_shared>> -> memref<64x112xf32, #tpu.memory_space<vmem_shared>>
      %dma_start3A_272 = arith.constant 0 : i32
      %dma_start3A_273 = tpu.memref_slice %arg18[%add3A_7, %dma_start3A_272] : memref<10240x112xf32, #tpu.memory_space<vmem_shared>> -> memref<64x112xf32, #tpu.memory_space<vmem_shared>>
      tpu.enqueue_dma source(%arg16 : memref<64x112xf32, #tpu.memory_space<vmem>>) target(%dma_start3A_273 : memref<64x112xf32, #tpu.memory_space<vmem_shared>>) target_semaphore(%run_scoped3A : memref<!tpu.dma_semaphore, #tpu.memory_space<semaphore_mem>>)
      %dma_wait3A_274 = arith.constant 0 : i32
      %dma_wait3A_275 = tpu.memref_slice %arg18[%add3A_7, %dma_wait3A_274] : memref<10240x112xf32, #tpu.memory_space<vmem_shared>> -> memref<64x112xf32, #tpu.memory_space<vmem_shared>>
      %dma_wait3A_276 = arith.constant 0 : i32
      %dma_wait3A_277 = tpu.memref_slice %arg18[%add3A_7, %dma_wait3A_276] : memref<10240x112xf32, #tpu.memory_space<vmem_shared>> -> memref<64x112xf32, #tpu.memory_space<vmem_shared>>
      tpu.wait_dma2 semaphore(%run_scoped3A : memref<!tpu.dma_semaphore, #tpu.memory_space<semaphore_mem>>) src(%arg16 : memref<64x112xf32, #tpu.memory_space<vmem>>) dst(%dma_wait3A_277 : memref<64x112xf32, #tpu.memory_space<vmem_shared>>)
      tpu.yield
    }) : () -> ()
    %add3A_8 = arith.constant 64 : i32
    %add3A_9 = arith.addi %mul3A_6, %add3A_8 : i32
    "tpu.region"() ({
      %run_scoped3A = tpu.sem_alloc : memref<!tpu.dma_semaphore, #tpu.memory_space<semaphore_mem>>
      %dma_start3A_270 = arith.constant 0 : i32
      %dma_start3A_271 = tpu.memref_slice %arg18[%add3A_9, %dma_start3A_270] : memref<10240x112xf32, #tpu.memory_space<vmem_shared>> -> memref<64x112xf32, #tpu.memory_space<vmem_shared>>
      %dma_start3A_272 = arith.constant 0 : i32
      %dma_start3A_273 = tpu.memref_slice %arg18[%add3A_9, %dma_start3A_272] : memref<10240x112xf32, #tpu.memory_space<vmem_shared>> -> memref<64x112xf32, #tpu.memory_space<vmem_shared>>
      tpu.enqueue_dma source(%arg16 : memref<64x112xf32, #tpu.memory_space<vmem>>) target(%dma_start3A_273 : memref<64x112xf32, #tpu.memory_space<vmem_shared>>) target_semaphore(%run_scoped3A : memref<!tpu.dma_semaphore, #tpu.memory_space<semaphore_mem>>)
      %dma_wait3A_274 = arith.constant 0 : i32
      %dma_wait3A_275 = tpu.memref_slice %arg18[%add3A_9, %dma_wait3A_274] : memref<10240x112xf32, #tpu.memory_space<vmem_shared>> -> memref<64x112xf32, #tpu.memory_space<vmem_shared>>
      %dma_wait3A_276 = arith.constant 0 : i32
      %dma_wait3A_277 = tpu.memref_slice %arg18[%add3A_9, %dma_wait3A_276] : memref<10240x112xf32, #tpu.memory_space<vmem_shared>> -> memref<64x112xf32, #tpu.memory_space<vmem_shared>>
      tpu.wait_dma2 semaphore(%run_scoped3A : memref<!tpu.dma_semaphore, #tpu.memory_space<semaphore_mem>>) src(%arg16 : memref<64x112xf32, #tpu.memory_space<vmem>>) dst(%dma_wait3A_277 : memref<64x112xf32, #tpu.memory_space<vmem_shared>>)
      tpu.yield
    }) : () -> ()
    %add3A_10 = arith.constant 128 : i32
    %add3A_11 = arith.addi %mul3A_6, %add3A_10 : i32
    "tpu.region"() ({
      %run_scoped3A = tpu.sem_alloc : memref<!tpu.dma_semaphore, #tpu.memory_space<semaphore_mem>>
      %dma_start3A_270 = arith.constant 0 : i32
      %dma_start3A_271 = tpu.memref_slice %arg18[%add3A_11, %dma_start3A_270] : memref<10240x112xf32, #tpu.memory_space<vmem_shared>> -> memref<64x112xf32, #tpu.memory_space<vmem_shared>>
      %dma_start3A_272 = arith.constant 0 : i32
      %dma_start3A_273 = tpu.memref_slice %arg18[%add3A_11, %dma_start3A_272] : memref<10240x112xf32, #tpu.memory_space<vmem_shared>> -> memref<64x112xf32, #tpu.memory_space<vmem_shared>>
      tpu.enqueue_dma source(%arg16 : memref<64x112xf32, #tpu.memory_space<vmem>>) target(%dma_start3A_273 : memref<64x112xf32, #tpu.memory_space<vmem_shared>>) target_semaphore(%run_scoped3A : memref<!tpu.dma_semaphore, #tpu.memory_space<semaphore_mem>>)
      %dma_wait3A_274 = arith.constant 0 : i32
      %dma_wait3A_275 = tpu.memref_slice %arg18[%add3A_11, %dma_wait3A_274] : memref<10240x112xf32, #tpu.memory_space<vmem_shared>> -> memref<64x112xf32, #tpu.memory_space<vmem_shared>>
      %dma_wait3A_276 = arith.constant 0 : i32
      %dma_wait3A_277 = tpu.memref_slice %arg18[%add3A_11, %dma_wait3A_276] : memref<10240x112xf32, #tpu.memory_space<vmem_shared>> -> memref<64x112xf32, #tpu.memory_space<vmem_shared>>
      tpu.wait_dma2 semaphore(%run_scoped3A : memref<!tpu.dma_semaphore, #tpu.memory_space<semaphore_mem>>) src(%arg16 : memref<64x112xf32, #tpu.memory_space<vmem>>) dst(%dma_wait3A_277 : memref<64x112xf32, #tpu.memory_space<vmem_shared>>)
      tpu.yield
    }) : () -> ()
    %add3A_12 = arith.constant 192 : i32
    %add3A_13 = arith.addi %mul3A_6, %add3A_12 : i32
    "tpu.region"() ({
      %run_scoped3A = tpu.sem_alloc : memref<!tpu.dma_semaphore, #tpu.memory_space<semaphore_mem>>
      %dma_start3A_270 = arith.constant 0 : i32
      %dma_start3A_271 = tpu.memref_slice %arg18[%add3A_13, %dma_start3A_270] : memref<10240x112xf32, #tpu.memory_space<vmem_shared>> -> memref<64x112xf32, #tpu.memory_space<vmem_shared>>
      %dma_start3A_272 = arith.constant 0 : i32
      %dma_start3A_273 = tpu.memref_slice %arg18[%add3A_13, %dma_start3A_272] : memref<10240x112xf32, #tpu.memory_space<vmem_shared>> -> memref<64x112xf32, #tpu.memory_space<vmem_shared>>
      tpu.enqueue_dma source(%arg16 : memref<64x112xf32, #tpu.memory_space<vmem>>) target(%dma_start3A_273 : memref<64x112xf32, #tpu.memory_space<vmem_shared>>) target_semaphore(%run_scoped3A : memref<!tpu.dma_semaphore, #tpu.memory_space<semaphore_mem>>)
      %dma_wait3A_274 = arith.constant 0 : i32
      %dma_wait3A_275 = tpu.memref_slice %arg18[%add3A_13, %dma_wait3A_274] : memref<10240x112xf32, #tpu.memory_space<vmem_shared>> -> memref<64x112xf32, #tpu.memory_space<vmem_shared>>
      %dma_wait3A_276 = arith.constant 0 : i32
      %dma_wait3A_277 = tpu.memref_slice %arg18[%add3A_13, %dma_wait3A_276] : memref<10240x112xf32, #tpu.memory_space<vmem_shared>> -> memref<64x112xf32, #tpu.memory_space<vmem_shared>>
      tpu.wait_dma2 semaphore(%run_scoped3A : memref<!tpu.dma_semaphore, #tpu.memory_space<semaphore_mem>>) src(%arg16 : memref<64x112xf32, #tpu.memory_space<vmem>>) dst(%dma_wait3A_277 : memref<64x112xf32, #tpu.memory_space<vmem_shared>>)
      tpu.yield
    }) : () -> ()
    %add3A_14 = arith.constant 256 : i32
    %add3A_15 = arith.addi %mul3A_6, %add3A_14 : i32
    "tpu.region"() ({
      %run_scoped3A = tpu.sem_alloc : memref<!tpu.dma_semaphore, #tpu.memory_space<semaphore_mem>>
      %dma_start3A_270 = arith.constant 0 : i32
      %dma_start3A_271 = tpu.memref_slice %arg18[%add3A_15, %dma_start3A_270] : memref<10240x112xf32, #tpu.memory_space<vmem_shared>> -> memref<64x112xf32, #tpu.memory_space<vmem_shared>>
      %dma_start3A_272 = arith.constant 0 : i32
      %dma_start3A_273 = tpu.memref_slice %arg18[%add3A_15, %dma_start3A_272] : memref<10240x112xf32, #tpu.memory_space<vmem_shared>> -> memref<64x112xf32, #tpu.memory_space<vmem_shared>>
      tpu.enqueue_dma source(%arg16 : memref<64x112xf32, #tpu.memory_space<vmem>>) target(%dma_start3A_273 : memref<64x112xf32, #tpu.memory_space<vmem_shared>>) target_semaphore(%run_scoped3A : memref<!tpu.dma_semaphore, #tpu.memory_space<semaphore_mem>>)
      %dma_wait3A_274 = arith.constant 0 : i32
      %dma_wait3A_275 = tpu.memref_slice %arg18[%add3A_15, %dma_wait3A_274] : memref<10240x112xf32, #tpu.memory_space<vmem_shared>> -> memref<64x112xf32, #tpu.memory_space<vmem_shared>>
      %dma_wait3A_276 = arith.constant 0 : i32
      %dma_wait3A_277 = tpu.memref_slice %arg18[%add3A_15, %dma_wait3A_276] : memref<10240x112xf32, #tpu.memory_space<vmem_shared>> -> memref<64x112xf32, #tpu.memory_space<vmem_shared>>
      tpu.wait_dma2 semaphore(%run_scoped3A : memref<!tpu.dma_semaphore, #tpu.memory_space<semaphore_mem>>) src(%arg16 : memref<64x112xf32, #tpu.memory_space<vmem>>) dst(%dma_wait3A_277 : memref<64x112xf32, #tpu.memory_space<vmem_shared>>)
      tpu.yield
    }) : () -> ()
    %add3A_16 = arith.constant 320 : i32
    %add3A_17 = arith.addi %mul3A_6, %add3A_16 : i32
    "tpu.region"() ({
      %run_scoped3A = tpu.sem_alloc : memref<!tpu.dma_semaphore, #tpu.memory_space<semaphore_mem>>
      %dma_start3A_270 = arith.constant 0 : i32
      %dma_start3A_271 = tpu.memref_slice %arg18[%add3A_17, %dma_start3A_270] : memref<10240x112xf32, #tpu.memory_space<vmem_shared>> -> memref<64x112xf32, #tpu.memory_space<vmem_shared>>
      %dma_start3A_272 = arith.constant 0 : i32
      %dma_start3A_273 = tpu.memref_slice %arg18[%add3A_17, %dma_start3A_272] : memref<10240x112xf32, #tpu.memory_space<vmem_shared>> -> memref<64x112xf32, #tpu.memory_space<vmem_shared>>
      tpu.enqueue_dma source(%arg16 : memref<64x112xf32, #tpu.memory_space<vmem>>) target(%dma_start3A_273 : memref<64x112xf32, #tpu.memory_space<vmem_shared>>) target_semaphore(%run_scoped3A : memref<!tpu.dma_semaphore, #tpu.memory_space<semaphore_mem>>)
      %dma_wait3A_274 = arith.constant 0 : i32
      %dma_wait3A_275 = tpu.memref_slice %arg18[%add3A_17, %dma_wait3A_274] : memref<10240x112xf32, #tpu.memory_space<vmem_shared>> -> memref<64x112xf32, #tpu.memory_space<vmem_shared>>
      %dma_wait3A_276 = arith.constant 0 : i32
      %dma_wait3A_277 = tpu.memref_slice %arg18[%add3A_17, %dma_wait3A_276] : memref<10240x112xf32, #tpu.memory_space<vmem_shared>> -> memref<64x112xf32, #tpu.memory_space<vmem_shared>>
      tpu.wait_dma2 semaphore(%run_scoped3A : memref<!tpu.dma_semaphore, #tpu.memory_space<semaphore_mem>>) src(%arg16 : memref<64x112xf32, #tpu.memory_space<vmem>>) dst(%dma_wait3A_277 : memref<64x112xf32, #tpu.memory_space<vmem_shared>>)
      tpu.yield
    }) : () -> ()
    %add3A_18 = arith.constant 384 : i32
    %add3A_19 = arith.addi %mul3A_6, %add3A_18 : i32
    "tpu.region"() ({
      %run_scoped3A = tpu.sem_alloc : memref<!tpu.dma_semaphore, #tpu.memory_space<semaphore_mem>>
      %dma_start3A_270 = arith.constant 0 : i32
      %dma_start3A_271 = tpu.memref_slice %arg18[%add3A_19, %dma_start3A_270] : memref<10240x112xf32, #tpu.memory_space<vmem_shared>> -> memref<64x112xf32, #tpu.memory_space<vmem_shared>>
      %dma_start3A_272 = arith.constant 0 : i32
      %dma_start3A_273 = tpu.memref_slice %arg18[%add3A_19, %dma_start3A_272] : memref<10240x112xf32, #tpu.memory_space<vmem_shared>> -> memref<64x112xf32, #tpu.memory_space<vmem_shared>>
      tpu.enqueue_dma source(%arg16 : memref<64x112xf32, #tpu.memory_space<vmem>>) target(%dma_start3A_273 : memref<64x112xf32, #tpu.memory_space<vmem_shared>>) target_semaphore(%run_scoped3A : memref<!tpu.dma_semaphore, #tpu.memory_space<semaphore_mem>>)
      %dma_wait3A_274 = arith.constant 0 : i32
      %dma_wait3A_275 = tpu.memref_slice %arg18[%add3A_19, %dma_wait3A_274] : memref<10240x112xf32, #tpu.memory_space<vmem_shared>> -> memref<64x112xf32, #tpu.memory_space<vmem_shared>>
      %dma_wait3A_276 = arith.constant 0 : i32
      %dma_wait3A_277 = tpu.memref_slice %arg18[%add3A_19, %dma_wait3A_276] : memref<10240x112xf32, #tpu.memory_space<vmem_shared>> -> memref<64x112xf32, #tpu.memory_space<vmem_shared>>
      tpu.wait_dma2 semaphore(%run_scoped3A : memref<!tpu.dma_semaphore, #tpu.memory_space<semaphore_mem>>) src(%arg16 : memref<64x112xf32, #tpu.memory_space<vmem>>) dst(%dma_wait3A_277 : memref<64x112xf32, #tpu.memory_space<vmem_shared>>)
      tpu.yield
    }) : () -> ()
    %add3A_20 = arith.constant 448 : i32
    %add3A_21 = arith.addi %mul3A_6, %add3A_20 : i32
    "tpu.region"() ({
      %run_scoped3A = tpu.sem_alloc : memref<!tpu.dma_semaphore, #tpu.memory_space<semaphore_mem>>
      %dma_start3A_270 = arith.constant 0 : i32
      %dma_start3A_271 = tpu.memref_slice %arg18[%add3A_21, %dma_start3A_270] : memref<10240x112xf32, #tpu.memory_space<vmem_shared>> -> memref<64x112xf32, #tpu.memory_space<vmem_shared>>
      %dma_start3A_272 = arith.constant 0 : i32
      %dma_start3A_273 = tpu.memref_slice %arg18[%add3A_21, %dma_start3A_272] : memref<10240x112xf32, #tpu.memory_space<vmem_shared>> -> memref<64x112xf32, #tpu.memory_space<vmem_shared>>
      tpu.enqueue_dma source(%arg16 : memref<64x112xf32, #tpu.memory_space<vmem>>) target(%dma_start3A_273 : memref<64x112xf32, #tpu.memory_space<vmem_shared>>) target_semaphore(%run_scoped3A : memref<!tpu.dma_semaphore, #tpu.memory_space<semaphore_mem>>)
      %dma_wait3A_274 = arith.constant 0 : i32
      %dma_wait3A_275 = tpu.memref_slice %arg18[%add3A_21, %dma_wait3A_274] : memref<10240x112xf32, #tpu.memory_space<vmem_shared>> -> memref<64x112xf32, #tpu.memory_space<vmem_shared>>
      %dma_wait3A_276 = arith.constant 0 : i32
      %dma_wait3A_277 = tpu.memref_slice %arg18[%add3A_21, %dma_wait3A_276] : memref<10240x112xf32, #tpu.memory_space<vmem_shared>> -> memref<64x112xf32, #tpu.memory_space<vmem_shared>>
      tpu.wait_dma2 semaphore(%run_scoped3A : memref<!tpu.dma_semaphore, #tpu.memory_space<semaphore_mem>>) src(%arg16 : memref<64x112xf32, #tpu.memory_space<vmem>>) dst(%dma_wait3A_277 : memref<64x112xf32, #tpu.memory_space<vmem_shared>>)
      tpu.yield
    }) : () -> ()
    %add3A_22 = arith.constant 512 : i32
    %add3A_23 = arith.addi %mul3A_6, %add3A_22 : i32
    "tpu.region"() ({
      %run_scoped3A = tpu.sem_alloc : memref<!tpu.dma_semaphore, #tpu.memory_space<semaphore_mem>>
      %dma_start3A_270 = arith.constant 0 : i32
      %dma_start3A_271 = tpu.memref_slice %arg18[%add3A_23, %dma_start3A_270] : memref<10240x112xf32, #tpu.memory_space<vmem_shared>> -> memref<64x112xf32, #tpu.memory_space<vmem_shared>>
      %dma_start3A_272 = arith.constant 0 : i32
      %dma_start3A_273 = tpu.memref_slice %arg18[%add3A_23, %dma_start3A_272] : memref<10240x112xf32, #tpu.memory_space<vmem_shared>> -> memref<64x112xf32, #tpu.memory_space<vmem_shared>>
      tpu.enqueue_dma source(%arg16 : memref<64x112xf32, #tpu.memory_space<vmem>>) target(%dma_start3A_273 : memref<64x112xf32, #tpu.memory_space<vmem_shared>>) target_semaphore(%run_scoped3A : memref<!tpu.dma_semaphore, #tpu.memory_space<semaphore_mem>>)
      %dma_wait3A_274 = arith.constant 0 : i32
      %dma_wait3A_275 = tpu.memref_slice %arg18[%add3A_23, %dma_wait3A_274] : memref<10240x112xf32, #tpu.memory_space<vmem_shared>> -> memref<64x112xf32, #tpu.memory_space<vmem_shared>>
      %dma_wait3A_276 = arith.constant 0 : i32
      %dma_wait3A_277 = tpu.memref_slice %arg18[%add3A_23, %dma_wait3A_276] : memref<10240x112xf32, #tpu.memory_space<vmem_shared>> -> memref<64x112xf32, #tpu.memory_space<vmem_shared>>
      tpu.wait_dma2 semaphore(%run_scoped3A : memref<!tpu.dma_semaphore, #tpu.memory_space<semaphore_mem>>) src(%arg16 : memref<64x112xf32, #tpu.memory_space<vmem>>) dst(%dma_wait3A_277 : memref<64x112xf32, #tpu.memory_space<vmem_shared>>)
      tpu.yield
    }) : () -> ()
    %add3A_24 = arith.constant 576 : i32
    %add3A_25 = arith.addi %mul3A_6, %add3A_24 : i32
    "tpu.region"() ({
      %run_scoped3A = tpu.sem_alloc : memref<!tpu.dma_semaphore, #tpu.memory_space<semaphore_mem>>
      %dma_start3A_270 = arith.constant 0 : i32
      %dma_start3A_271 = tpu.memref_slice %arg18[%add3A_25, %dma_start3A_270] : memref<10240x112xf32, #tpu.memory_space<vmem_shared>> -> memref<64x112xf32, #tpu.memory_space<vmem_shared>>
      %dma_start3A_272 = arith.constant 0 : i32
      %dma_start3A_273 = tpu.memref_slice %arg18[%add3A_25, %dma_start3A_272] : memref<10240x112xf32, #tpu.memory_space<vmem_shared>> -> memref<64x112xf32, #tpu.memory_space<vmem_shared>>
      tpu.enqueue_dma source(%arg16 : memref<64x112xf32, #tpu.memory_space<vmem>>) target(%dma_start3A_273 : memref<64x112xf32, #tpu.memory_space<vmem_shared>>) target_semaphore(%run_scoped3A : memref<!tpu.dma_semaphore, #tpu.memory_space<semaphore_mem>>)
      %dma_wait3A_274 = arith.constant 0 : i32
      %dma_wait3A_275 = tpu.memref_slice %arg18[%add3A_25, %dma_wait3A_274] : memref<10240x112xf32, #tpu.memory_space<vmem_shared>> -> memref<64x112xf32, #tpu.memory_space<vmem_shared>>
      %dma_wait3A_276 = arith.constant 0 : i32
      %dma_wait3A_277 = tpu.memref_slice %arg18[%add3A_25, %dma_wait3A_276] : memref<10240x112xf32, #tpu.memory_space<vmem_shared>> -> memref<64x112xf32, #tpu.memory_space<vmem_shared>>
      tpu.wait_dma2 semaphore(%run_scoped3A : memref<!tpu.dma_semaphore, #tpu.memory_space<semaphore_mem>>) src(%arg16 : memref<64x112xf32, #tpu.memory_space<vmem>>) dst(%dma_wait3A_277 : memref<64x112xf32, #tpu.memory_space<vmem_shared>>)
      tpu.yield
    }) : () -> ()
    %barrier3A = arith.constant 0 : index
    tpu.barrier barrier_id(%barrier3A)
    %get3A = arith.constant 0 : index
    %get3A_26 = tpu.vector_load %arg11[%get3A] {strides = array<i32>} : memref<16xf32, #tpu.memory_space<vmem>>, vector<16xf32>,
    %mul3A_27 = arith.constant 112 : i32
    %mul3A_28 = arith.muli %arg0, %mul3A_27 : i32
    %add3A_29 = arith.constant 0 : i32
    %add3A_30 = arith.addi %mul3A_28, %add3A_29 : i32
    %iota3A = tpu.iota {dimensions = array<i32: 0>} : vector<16xi32>
    %add3A_31 = vector.broadcast %add3A_30 : i32 to vector<16xi32>
    %add3A_32 = arith.addi %add3A_31, %iota3A : vector<16xi32>
    %eq3A = arith.constant 200 : i32
    %eq3A_33 = vector.broadcast %eq3A : i32 to vector<16xi32>
    %eq3A_34 = arith.cmpi eq, %add3A_32, %eq3A_33 : vector<16xi32>
    %add3A_35 = arith.constant 16 : i32
    %add3A_36 = arith.addi %mul3A_28, %add3A_35 : i32
    %iota3A_37 = tpu.iota {dimensions = array<i32: 0>} : vector<16xi32>
    %add3A_38 = vector.broadcast %add3A_36 : i32 to vector<16xi32>
    %add3A_39 = arith.addi %add3A_38, %iota3A_37 : vector<16xi32>
    %eq3A_40 = arith.constant 200 : i32
    %eq3A_41 = vector.broadcast %eq3A_40 : i32 to vector<16xi32>
    %eq3A_42 = arith.cmpi eq, %add3A_39, %eq3A_41 : vector<16xi32>
    %add3A_43 = arith.constant 32 : i32
    %add3A_44 = arith.addi %mul3A_28, %add3A_43 : i32
    %iota3A_45 = tpu.iota {dimensions = array<i32: 0>} : vector<16xi32>
    %add3A_46 = vector.broadcast %add3A_44 : i32 to vector<16xi32>
    %add3A_47 = arith.addi %add3A_46, %iota3A_45 : vector<16xi32>
    %eq3A_48 = arith.constant 200 : i32
    %eq3A_49 = vector.broadcast %eq3A_48 : i32 to vector<16xi32>
    %eq3A_50 = arith.cmpi eq, %add3A_47, %eq3A_49 : vector<16xi32>
    %add3A_51 = arith.constant 48 : i32
    %add3A_52 = arith.addi %mul3A_28, %add3A_51 : i32
    %iota3A_53 = tpu.iota {dimensions = array<i32: 0>} : vector<16xi32>
    %add3A_54 = vector.broadcast %add3A_52 : i32 to vector<16xi32>
    %add3A_55 = arith.addi %add3A_54, %iota3A_53 : vector<16xi32>
    %eq3A_56 = arith.constant 200 : i32
    %eq3A_57 = vector.broadcast %eq3A_56 : i32 to vector<16xi32>
    %eq3A_58 = arith.cmpi eq, %add3A_55, %eq3A_57 : vector<16xi32>
    %add3A_59 = arith.constant 64 : i32
    %add3A_60 = arith.addi %mul3A_28, %add3A_59 : i32
    %iota3A_61 = tpu.iota {dimensions = array<i32: 0>} : vector<16xi32>
    %add3A_62 = vector.broadcast %add3A_60 : i32 to vector<16xi32>
    %add3A_63 = arith.addi %add3A_62, %iota3A_61 : vector<16xi32>
    %eq3A_64 = arith.constant 200 : i32
    %eq3A_65 = vector.broadcast %eq3A_64 : i32 to vector<16xi32>
    %eq3A_66 = arith.cmpi eq, %add3A_63, %eq3A_65 : vector<16xi32>
    %add3A_67 = arith.constant 80 : i32
    %add3A_68 = arith.addi %mul3A_28, %add3A_67 : i32
    %iota3A_69 = tpu.iota {dimensions = array<i32: 0>} : vector<16xi32>
    %add3A_70 = vector.broadcast %add3A_68 : i32 to vector<16xi32>
    %add3A_71 = arith.addi %add3A_70, %iota3A_69 : vector<16xi32>
    %eq3A_72 = arith.constant 200 : i32
    %eq3A_73 = vector.broadcast %eq3A_72 : i32 to vector<16xi32>
    %eq3A_74 = arith.cmpi eq, %add3A_71, %eq3A_73 : vector<16xi32>
    %add3A_75 = arith.constant 96 : i32
    %add3A_76 = arith.addi %mul3A_28, %add3A_75 : i32
    %iota3A_77 = tpu.iota {dimensions = array<i32: 0>} : vector<16xi32>
    %add3A_78 = vector.broadcast %add3A_76 : i32 to vector<16xi32>
    %add3A_79 = arith.addi %add3A_78, %iota3A_77 : vector<16xi32>
    %eq3A_80 = arith.constant 200 : i32
    %eq3A_81 = vector.broadcast %eq3A_80 : i32 to vector<16xi32>
    %eq3A_82 = arith.cmpi eq, %add3A_79, %eq3A_81 : vector<16xi32>
    %get3A_83 = arith.constant 0 : i32
    %get3A_84 = arith.index_cast %get3A_83 : i32 to index
    %get3A_85 = arith.constant 0 : index
    %get3A_86 = tpu.vector_load %arg12[%get3A_84, %get3A_85] {strides = array<i32>} : memref<161x64xi32, #tpu.memory_space<vmem>>, vector<16xi32>,
    %get3A_87 = arith.constant 0 : i32
    %get3A_88 = arith.index_cast %get3A_87 : i32 to index
    %get3A_89 = arith.constant 0 : index
    %get3A_90 = tpu.vector_load %arg13[%get3A_88, %get3A_89] {strides = array<i32>} : memref<161x64xi32, #tpu.memory_space<vmem>>, vector<16xi32>,
    %gather3A = tpu.vector_load_idx %arg9[%get3A_86] : memref<10000xf32, #tpu.memory_space<vmem>>[vector<16xi32>], vector<16xf32>,
    %gather3A_91 = tpu.vector_load_idx %arg10[%get3A_90] : memref<10000xf32, #tpu.memory_space<vmem>>[vector<16xi32>], vector<16xf32>,
    %add3A_92 = arith.addf %gather3A, %gather3A_91 : vector<16xf32>
    %ge3A = arith.constant 0.000000e+00 : f32
    %ge3A_93 = vector.broadcast %ge3A : f32 to vector<16xf32>
    %ge3A_94 = arith.cmpf oge, %add3A_92, %ge3A_93 : vector<16xf32>
    %mul3A_95 = arith.constant 2.000000e-01 : f32
    %mul3A_96 = vector.broadcast %mul3A_95 : f32 to vector<16xf32>
    %mul3A_97 = arith.mulf %mul3A_96, %add3A_92 : vector<16xf32>
    %select_n3A = arith.select %ge3A_94, %add3A_92, %mul3A_97 : vector<16xi1>, vector<16xf32>
    %sub3A = arith.subf %select_n3A, %get3A_26 : vector<16xf32>
    %exp3A = math.exp %sub3A : vector<16xf32>
    %iota3A_98 = tpu.iota {dimensions = array<i32: 0>} : vector<16xi32>
    %add3A_99 = arith.constant 0 : i32
    %add3A_100 = vector.broadcast %add3A_99 : i32 to vector<16xi32>
    %add3A_101 = arith.addi %add3A_100, %iota3A_98 : vector<16xi32>
    %lt3A = arith.constant 10000 : i32
    %lt3A_102 = vector.broadcast %lt3A : i32 to vector<16xi32>
    %lt3A_103 = arith.cmpi slt, %add3A_101, %lt3A_102 : vector<16xi32>
    %jit3A = arith.constant 0.000000e+00 : f32
    %broadcast_in_dim3A = vector.broadcast %jit3A : f32 to vector<16xf32>
    %select_n3A_104 = arith.select %lt3A_103, %exp3A, %broadcast_in_dim3A : vector<16xi1>, vector<16xf32>
    %swap3A = arith.constant 0 : index
    %swap3A_105 = tpu.vector_load %arg14[%swap3A] {strides = array<i32>} : memref<64xf32, #tpu.memory_space<vmem>>, vector<16xf32>,
    tpu.vector_store %arg14[%swap3A], %select_n3A_104 {strides = array<i32>} : memref<64xf32, #tpu.memory_space<vmem>>, vector<16xf32>,
    %get3A_106 = arith.constant 0 : i32
    %get3A_107 = arith.index_cast %get3A_106 : i32 to index
    %get3A_108 = arith.constant 16 : index
    %get3A_109 = tpu.vector_load %arg12[%get3A_107, %get3A_108] {strides = array<i32>} : memref<161x64xi32, #tpu.memory_space<vmem>>, vector<16xi32>,
    %get3A_110 = arith.constant 0 : i32
    %get3A_111 = arith.index_cast %get3A_110 : i32 to index
    %get3A_112 = arith.constant 16 : index
    %get3A_113 = tpu.vector_load %arg13[%get3A_111, %get3A_112] {strides = array<i32>} : memref<161x64xi32, #tpu.memory_space<vmem>>, vector<16xi32>,
    %gather3A_114 = tpu.vector_load_idx %arg9[%get3A_109] : memref<10000xf32, #tpu.memory_space<vmem>>[vector<16xi32>], vector<16xf32>,
    %gather3A_115 = tpu.vector_load_idx %arg10[%get3A_113] : memref<10000xf32, #tpu.memory_space<vmem>>[vector<16xi32>], vector<16xf32>,
    %add3A_116 = arith.addf %gather3A_114, %gather3A_115 : vector<16xf32>
    %ge3A_117 = arith.constant 0.000000e+00 : f32
    %ge3A_118 = vector.broadcast %ge3A_117 : f32 to vector<16xf32>
    %ge3A_119 = arith.cmpf oge, %add3A_116, %ge3A_118 : vector<16xf32>
    %mul3A_120 = arith.constant 2.000000e-01 : f32
    %mul3A_121 = vector.broadcast %mul3A_120 : f32 to vector<16xf32>
    %mul3A_122 = arith.mulf %mul3A_121, %add3A_116 : vector<16xf32>
    %select_n3A_123 = arith.select %ge3A_119, %add3A_116, %mul3A_122 : vector<16xi1>, vector<16xf32>
    %sub3A_124 = arith.subf %select_n3A_123, %get3A_26 : vector<16xf32>
    %exp3A_125 = math.exp %sub3A_124 : vector<16xf32>
    %iota3A_126 = tpu.iota {dimensions = array<i32: 0>} : vector<16xi32>
    %add3A_127 = arith.constant 16 : i32
    %add3A_128 = vector.broadcast %add3A_127 : i32 to vector<16xi32>
    %add3A_129 = arith.addi %add3A_128, %iota3A_126 : vector<16xi32>
    %lt3A_130 = arith.constant 10000 : i32
    %lt3A_131 = vector.broadcast %lt3A_130 : i32 to vector<16xi32>
    %lt3A_132 = arith.cmpi slt, %add3A_129, %lt3A_131 : vector<16xi32>
    %jit3A_133 = arith.constant 0.000000e+00 : f32
    %broadcast_in_dim3A_134 = vector.broadcast %jit3A_133 : f32 to vector<16xf32>
    %select_n3A_135 = arith.select %lt3A_132, %exp3A_125, %broadcast_in_dim3A_134 : vector<16xi1>, vector<16xf32>
    %swap3A_136 = arith.constant 16 : index
    %swap3A_137 = tpu.vector_load %arg14[%swap3A_136] {strides = array<i32>} : memref<64xf32, #tpu.memory_space<vmem>>, vector<16xf32>,
    tpu.vector_store %arg14[%swap3A_136], %select_n3A_135 {strides = array<i32>} : memref<64xf32, #tpu.memory_space<vmem>>, vector<16xf32>,
    %get3A_138 = arith.constant 0 : i32
    %get3A_139 = arith.index_cast %get3A_138 : i32 to index
    %get3A_140 = arith.constant 32 : index
    %get3A_141 = tpu.vector_load %arg12[%get3A_139, %get3A_140] {strides = array<i32>} : memref<161x64xi32, #tpu.memory_space<vmem>>, vector<16xi32>,
    %get3A_142 = arith.constant 0 : i32
    %get3A_143 = arith.index_cast %get3A_142 : i32 to index
    %get3A_144 = arith.constant 32 : index
    %get3A_145 = tpu.vector_load %arg13[%get3A_143, %get3A_144] {strides = array<i32>} : memref<161x64xi32, #tpu.memory_space<vmem>>, vector<16xi32>,
    %gather3A_146 = tpu.vector_load_idx %arg9[%get3A_141] : memref<10000xf32, #tpu.memory_space<vmem>>[vector<16xi32>], vector<16xf32>,
    %gather3A_147 = tpu.vector_load_idx %arg10[%get3A_145] : memref<10000xf32, #tpu.memory_space<vmem>>[vector<16xi32>], vector<16xf32>,
    %add3A_148 = arith.addf %gather3A_146, %gather3A_147 : vector<16xf32>
    %ge3A_149 = arith.constant 0.000000e+00 : f32
    %ge3A_150 = vector.broadcast %ge3A_149 : f32 to vector<16xf32>
    %ge3A_151 = arith.cmpf oge, %add3A_148, %ge3A_150 : vector<16xf32>
    %mul3A_152 = arith.constant 2.000000e-01 : f32
    %mul3A_153 = vector.broadcast %mul3A_152 : f32 to vector<16xf32>
    %mul3A_154 = arith.mulf %mul3A_153, %add3A_148 : vector<16xf32>
    %select_n3A_155 = arith.select %ge3A_151, %add3A_148, %mul3A_154 : vector<16xi1>, vector<16xf32>
    %sub3A_156 = arith.subf %select_n3A_155, %get3A_26 : vector<16xf32>
    %exp3A_157 = math.exp %sub3A_156 : vector<16xf32>
    %iota3A_158 = tpu.iota {dimensions = array<i32: 0>} : vector<16xi32>
    %add3A_159 = arith.constant 32 : i32
    %add3A_160 = vector.broadcast %add3A_159 : i32 to vector<16xi32>
    %add3A_161 = arith.addi %add3A_160, %iota3A_158 : vector<16xi32>
    %lt3A_162 = arith.constant 10000 : i32
    %lt3A_163 = vector.broadcast %lt3A_162 : i32 to vector<16xi32>
    %lt3A_164 = arith.cmpi slt, %add3A_161, %lt3A_163 : vector<16xi32>
    %jit3A_165 = arith.constant 0.000000e+00 : f32
    %broadcast_in_dim3A_166 = vector.broadcast %jit3A_165 : f32 to vector<16xf32>
    %select_n3A_167 = arith.select %lt3A_164, %exp3A_157, %broadcast_in_dim3A_166 : vector<16xi1>, vector<16xf32>
    %swap3A_168 = arith.constant 32 : index
    %swap3A_169 = tpu.vector_load %arg14[%swap3A_168] {strides = array<i32>} : memref<64xf32, #tpu.memory_space<vmem>>, vector<16xf32>,
    tpu.vector_store %arg14[%swap3A_168], %select_n3A_167 {strides = array<i32>} : memref<64xf32, #tpu.memory_space<vmem>>, vector<16xf32>,
    %get3A_170 = arith.constant 0 : i32
    %get3A_171 = arith.index_cast %get3A_170 : i32 to index
    %get3A_172 = arith.constant 48 : index
    %get3A_173 = tpu.vector_load %arg12[%get3A_171, %get3A_172] {strides = array<i32>} : memref<161x64xi32, #tpu.memory_space<vmem>>, vector<16xi32>,
    %get3A_174 = arith.constant 0 : i32
    %get3A_175 = arith.index_cast %get3A_174 : i32 to index
    %get3A_176 = arith.constant 48 : index
    %get3A_177 = tpu.vector_load %arg13[%get3A_175, %get3A_176] {strides = array<i32>} : memref<161x64xi32, #tpu.memory_space<vmem>>, vector<16xi32>,
    %gather3A_178 = tpu.vector_load_idx %arg9[%get3A_173] : memref<10000xf32, #tpu.memory_space<vmem>>[vector<16xi32>], vector<16xf32>,
    %gather3A_179 = tpu.vector_load_idx %arg10[%get3A_177] : memref<10000xf32, #tpu.memory_space<vmem>>[vector<16xi32>], vector<16xf32>,
    %add3A_180 = arith.addf %gather3A_178, %gather3A_179 : vector<16xf32>
    %ge3A_181 = arith.constant 0.000000e+00 : f32
    %ge3A_182 = vector.broadcast %ge3A_181 : f32 to vector<16xf32>
    %ge3A_183 = arith.cmpf oge, %add3A_180, %ge3A_182 : vector<16xf32>
    %mul3A_184 = arith.constant 2.000000e-01 : f32
    %mul3A_185 = vector.broadcast %mul3A_184 : f32 to vector<16xf32>
    %mul3A_186 = arith.mulf %mul3A_185, %add3A_180 : vector<16xf32>
    %select_n3A_187 = arith.select %ge3A_183, %add3A_180, %mul3A_186 : vector<16xi1>, vector<16xf32>
    %sub3A_188 = arith.subf %select_n3A_187, %get3A_26 : vector<16xf32>
    %exp3A_189 = math.exp %sub3A_188 : vector<16xf32>
    %iota3A_190 = tpu.iota {dimensions = array<i32: 0>} : vector<16xi32>
    %add3A_191 = arith.constant 48 : i32
    %add3A_192 = vector.broadcast %add3A_191 : i32 to vector<16xi32>
    %add3A_193 = arith.addi %add3A_192, %iota3A_190 : vector<16xi32>
    %lt3A_194 = arith.constant 10000 : i32
    %lt3A_195 = vector.broadcast %lt3A_194 : i32 to vector<16xi32>
    %lt3A_196 = arith.cmpi slt, %add3A_193, %lt3A_195 : vector<16xi32>
    %jit3A_197 = arith.constant 0.000000e+00 : f32
    %broadcast_in_dim3A_198 = vector.broadcast %jit3A_197 : f32 to vector<16xf32>
    %select_n3A_199 = arith.select %lt3A_196, %exp3A_189, %broadcast_in_dim3A_198 : vector<16xi1>, vector<16xf32>
    %swap3A_200 = arith.constant 48 : index
    %swap3A_201 = tpu.vector_load %arg14[%swap3A_200] {strides = array<i32>} : memref<64xf32, #tpu.memory_space<vmem>>, vector<16xf32>,
    tpu.vector_store %arg14[%swap3A_200], %select_n3A_199 {strides = array<i32>} : memref<64xf32, #tpu.memory_space<vmem>>, vector<16xf32>,
    %dma_start3A = arith.constant 0 : i32
    %dma_start3A_202 = arith.constant 0 : i32
    %dma_start3A_203 = tpu.memref_slice %arg12[%dma_start3A, %dma_start3A_202] : memref<161x64xi32, #tpu.memory_space<vmem>> -> memref<1x64xi32, #tpu.memory_space<vmem>>
    %dma_start3A_204 = tpu.memref_squeeze %dma_start3A_203 : memref<1x64xi32, #tpu.memory_space<vmem>> -> memref<64xi32, #tpu.memory_space<vmem>>
    %dma_start3A_205 = arith.constant 0 : i32
    %dma_start3A_206 = arith.constant 0 : i32
    %dma_start3A_207 = tpu.memref_slice %arg2[%arg0, %dma_start3A_205, %dma_start3A_206] : memref<2x10000x112xf32, #tpu.memory_space<hbm>> -> memref<1x10000x112xf32, #tpu.memory_space<hbm>>
    %dma_start3A_208 = tpu.memref_squeeze %dma_start3A_207 : memref<1x10000x112xf32, #tpu.memory_space<hbm>> -> memref<10000x112xf32, #tpu.memory_space<hbm>>
    %dma_start3A_209 = arith.constant 0 : i32
    %dma_start3A_210 = arith.constant 0 : i32
    %dma_start3A_211 = tpu.memref_slice %dma_start3A_208[%dma_start3A_209, %dma_start3A_210] : memref<10000x112xf32, #tpu.memory_space<hbm>> -> memref<10000x112xf32, #tpu.memory_space<hbm>>
    tpu.enqueue_indirect_dma source(%dma_start3A_211 : memref<10000x112xf32, #tpu.memory_space<hbm>>) target(%arg16 : memref<64x112xf32, #tpu.memory_space<vmem>>) offsets(%dma_start3A_204 : memref<64xi32, #tpu.memory_space<vmem>>) semaphore(%arg19 : memref<!tpu.dma_semaphore, #tpu.memory_space<semaphore_mem>>)
    %scan3A_212 = arith.constant 0 : i32
    %scan3A_213 = arith.constant 0 : i32
    %scan3A_214 = arith.constant 80 : i32
    %scan3A_215 = arith.addi %scan3A_213, %scan3A_214 : i32
    %scan3A_216 = arith.constant 1 : i32
    %scan3A_217 = scf.for %scan3A_270 = %scan3A_213 to %scan3A_215 step %scan3A_216 iter_args(%scan3A_271 = %scan3A_212) -> (i32)  : i32 {
      %mul3A_272 = arith.constant 2 : i32
      %mul3A_273 = arith.muli %mul3A_272, %scan3A_270 : i32
      %add3A_274 = arith.constant 1 : i32
      %add3A_275 = arith.addi %mul3A_273, %add3A_274 : i32
      %get3A_276 = arith.index_cast %add3A_275 : i32 to index
      %get3A_277 = arith.constant 0 : index
      %get3A_278 = tpu.vector_load %arg12[%get3A_276, %get3A_277] {strides = array<i32>} : memref<161x64xi32, #tpu.memory_space<vmem>>, vector<16xi32>,
      %get3A_279 = arith.index_cast %add3A_275 : i32 to index
      %get3A_280 = arith.constant 0 : index
      %get3A_281 = tpu.vector_load %arg13[%get3A_279, %get3A_280] {strides = array<i32>} : memref<161x64xi32, #tpu.memory_space<vmem>>, vector<16xi32>,
      %gather3A_282 = tpu.vector_load_idx %arg9[%get3A_278] : memref<10000xf32, #tpu.memory_space<vmem>>[vector<16xi32>], vector<16xf32>,
      %gather3A_283 = tpu.vector_load_idx %arg10[%get3A_281] : memref<10000xf32, #tpu.memory_space<vmem>>[vector<16xi32>], vector<16xf32>,
      %add3A_284 = arith.addf %gather3A_282, %gather3A_283 : vector<16xf32>
      %ge3A_285 = arith.constant 0.000000e+00 : f32
      %ge3A_286 = vector.broadcast %ge3A_285 : f32 to vector<16xf32>
      %ge3A_287 = arith.cmpf oge, %add3A_284, %ge3A_286 : vector<16xf32>
      %mul3A_288 = arith.constant 2.000000e-01 : f32
      %mul3A_289 = vector.broadcast %mul3A_288 : f32 to vector<16xf32>
      %mul3A_290 = arith.mulf %mul3A_289, %add3A_284 : vector<16xf32>
      %select_n3A_291 = arith.select %ge3A_287, %add3A_284, %mul3A_290 : vector<16xi1>, vector<16xf32>
      %sub3A_292 = arith.subf %select_n3A_291, %get3A_26 : vector<16xf32>
      %exp3A_293 = math.exp %sub3A_292 : vector<16xf32>
      %mul3A_294 = arith.constant 64 : i32
      %mul3A_295 = arith.muli %add3A_275, %mul3A_294 : i32
      %add3A_296 = arith.constant 0 : i32
      %add3A_297 = arith.addi %mul3A_295, %add3A_296 : i32
      %iota3A_298 = tpu.iota {dimensions = array<i32: 0>} : vector<16xi32>
      %add3A_299 = vector.broadcast %add3A_297 : i32 to vector<16xi32>
      %add3A_300 = arith.addi %add3A_299, %iota3A_298 : vector<16xi32>
      %lt3A_301 = arith.constant 10000 : i32
      %lt3A_302 = vector.broadcast %lt3A_301 : i32 to vector<16xi32>
      %lt3A_303 = arith.cmpi slt, %add3A_300, %lt3A_302 : vector<16xi32>
      %jit3A_304 = arith.constant 0.000000e+00 : f32
      %broadcast_in_dim3A_305 = vector.broadcast %jit3A_304 : f32 to vector<16xf32>
      %select_n3A_306 = arith.select %lt3A_303, %exp3A_293, %broadcast_in_dim3A_305 : vector<16xi1>, vector<16xf32>
      %swap3A_307 = arith.constant 0 : index
      %swap3A_308 = tpu.vector_load %arg15[%swap3A_307] {strides = array<i32>} : memref<64xf32, #tpu.memory_space<vmem>>, vector<16xf32>,
      tpu.vector_store %arg15[%swap3A_307], %select_n3A_306 {strides = array<i32>} : memref<64xf32, #tpu.memory_space<vmem>>, vector<16xf32>,
      %get3A_309 = arith.index_cast %add3A_275 : i32 to index
      %get3A_310 = arith.constant 16 : index
      %get3A_311 = tpu.vector_load %arg12[%get3A_309, %get3A_310] {strides = array<i32>} : memref<161x64xi32, #tpu.memory_space<vmem>>, vector<16xi32>,
      %get3A_312 = arith.index_cast %add3A_275 : i32 to index
      %get3A_313 = arith.constant 16 : index
      %get3A_314 = tpu.vector_load %arg13[%get3A_312, %get3A_313] {strides = array<i32>} : memref<161x64xi32, #tpu.memory_space<vmem>>, vector<16xi32>,
      %gather3A_315 = tpu.vector_load_idx %arg9[%get3A_311] : memref<10000xf32, #tpu.memory_space<vmem>>[vector<16xi32>], vector<16xf32>,
      %gather3A_316 = tpu.vector_load_idx %arg10[%get3A_314] : memref<10000xf32, #tpu.memory_space<vmem>>[vector<16xi32>], vector<16xf32>,
      %add3A_317 = arith.addf %gather3A_315, %gather3A_316 : vector<16xf32>
      %ge3A_318 = arith.constant 0.000000e+00 : f32
      %ge3A_319 = vector.broadcast %ge3A_318 : f32 to vector<16xf32>
      %ge3A_320 = arith.cmpf oge, %add3A_317, %ge3A_319 : vector<16xf32>
      %mul3A_321 = arith.constant 2.000000e-01 : f32
      %mul3A_322 = vector.broadcast %mul3A_321 : f32 to vector<16xf32>
      %mul3A_323 = arith.mulf %mul3A_322, %add3A_317 : vector<16xf32>
      %select_n3A_324 = arith.select %ge3A_320, %add3A_317, %mul3A_323 : vector<16xi1>, vector<16xf32>
      %sub3A_325 = arith.subf %select_n3A_324, %get3A_26 : vector<16xf32>
      %exp3A_326 = math.exp %sub3A_325 : vector<16xf32>
      %mul3A_327 = arith.constant 64 : i32
      %mul3A_328 = arith.muli %add3A_275, %mul3A_327 : i32
      %add3A_329 = arith.constant 16 : i32
      %add3A_330 = arith.addi %mul3A_328, %add3A_329 : i32
      %iota3A_331 = tpu.iota {dimensions = array<i32: 0>} : vector<16xi32>
      %add3A_332 = vector.broadcast %add3A_330 : i32 to vector<16xi32>
      %add3A_333 = arith.addi %add3A_332, %iota3A_331 : vector<16xi32>
      %lt3A_334 = arith.constant 10000 : i32
      %lt3A_335 = vector.broadcast %lt3A_334 : i32 to vector<16xi32>
      %lt3A_336 = arith.cmpi slt, %add3A_333, %lt3A_335 : vector<16xi32>
      %jit3A_337 = arith.constant 0.000000e+00 : f32
      %broadcast_in_dim3A_338 = vector.broadcast %jit3A_337 : f32 to vector<16xf32>
      %select_n3A_339 = arith.select %lt3A_336, %exp3A_326, %broadcast_in_dim3A_338 : vector<16xi1>, vector<16xf32>
      %swap3A_340 = arith.constant 16 : index
      %swap3A_341 = tpu.vector_load %arg15[%swap3A_340] {strides = array<i32>} : memref<64xf32, #tpu.memory_space<vmem>>, vector<16xf32>,
      tpu.vector_store %arg15[%swap3A_340], %select_n3A_339 {strides = array<i32>} : memref<64xf32, #tpu.memory_space<vmem>>, vector<16xf32>,
      %get3A_342 = arith.index_cast %add3A_275 : i32 to index
      %get3A_343 = arith.constant 32 : index
      %get3A_344 = tpu.vector_load %arg12[%get3A_342, %get3A_343] {strides = array<i32>} : memref<161x64xi32, #tpu.memory_space<vmem>>, vector<16xi32>,
      %get3A_345 = arith.index_cast %add3A_275 : i32 to index
      %get3A_346 = arith.constant 32 : index
      %get3A_347 = tpu.vector_load %arg13[%get3A_345, %get3A_346] {strides = array<i32>} : memref<161x64xi32, #tpu.memory_space<vmem>>, vector<16xi32>,
      %gather3A_348 = tpu.vector_load_idx %arg9[%get3A_344] : memref<10000xf32, #tpu.memory_space<vmem>>[vector<16xi32>], vector<16xf32>,
      %gather3A_349 = tpu.vector_load_idx %arg10[%get3A_347] : memref<10000xf32, #tpu.memory_space<vmem>>[vector<16xi32>], vector<16xf32>,
      %add3A_350 = arith.addf %gather3A_348, %gather3A_349 : vector<16xf32>
      %ge3A_351 = arith.constant 0.000000e+00 : f32
      %ge3A_352 = vector.broadcast %ge3A_351 : f32 to vector<16xf32>
      %ge3A_353 = arith.cmpf oge, %add3A_350, %ge3A_352 : vector<16xf32>
      %mul3A_354 = arith.constant 2.000000e-01 : f32
      %mul3A_355 = vector.broadcast %mul3A_354 : f32 to vector<16xf32>
      %mul3A_356 = arith.mulf %mul3A_355, %add3A_350 : vector<16xf32>
      %select_n3A_357 = arith.select %ge3A_353, %add3A_350, %mul3A_356 : vector<16xi1>, vector<16xf32>
      %sub3A_358 = arith.subf %select_n3A_357, %get3A_26 : vector<16xf32>
      %exp3A_359 = math.exp %sub3A_358 : vector<16xf32>
      %mul3A_360 = arith.constant 64 : i32
      %mul3A_361 = arith.muli %add3A_275, %mul3A_360 : i32
      %add3A_362 = arith.constant 32 : i32
      %add3A_363 = arith.addi %mul3A_361, %add3A_362 : i32
      %iota3A_364 = tpu.iota {dimensions = array<i32: 0>} : vector<16xi32>
      %add3A_365 = vector.broadcast %add3A_363 : i32 to vector<16xi32>
      %add3A_366 = arith.addi %add3A_365, %iota3A_364 : vector<16xi32>
      %lt3A_367 = arith.constant 10000 : i32
      %lt3A_368 = vector.broadcast %lt3A_367 : i32 to vector<16xi32>
      %lt3A_369 = arith.cmpi slt, %add3A_366, %lt3A_368 : vector<16xi32>
      %jit3A_370 = arith.constant 0.000000e+00 : f32
      %broadcast_in_dim3A_371 = vector.broadcast %jit3A_370 : f32 to vector<16xf32>
      %select_n3A_372 = arith.select %lt3A_369, %exp3A_359, %broadcast_in_dim3A_371 : vector<16xi1>, vector<16xf32>
      %swap3A_373 = arith.constant 32 : index
      %swap3A_374 = tpu.vector_load %arg15[%swap3A_373] {strides = array<i32>} : memref<64xf32, #tpu.memory_space<vmem>>, vector<16xf32>,
      tpu.vector_store %arg15[%swap3A_373], %select_n3A_372 {strides = array<i32>} : memref<64xf32, #tpu.memory_space<vmem>>, vector<16xf32>,
      %get3A_375 = arith.index_cast %add3A_275 : i32 to index
      %get3A_376 = arith.constant 48 : index
      %get3A_377 = tpu.vector_load %arg12[%get3A_375, %get3A_376] {strides = array<i32>} : memref<161x64xi32, #tpu.memory_space<vmem>>, vector<16xi32>,
      %get3A_378 = arith.index_cast %add3A_275 : i32 to index
      %get3A_379 = arith.constant 48 : index
      %get3A_380 = tpu.vector_load %arg13[%get3A_378, %get3A_379] {strides = array<i32>} : memref<161x64xi32, #tpu.memory_space<vmem>>, vector<16xi32>,
      %gather3A_381 = tpu.vector_load_idx %arg9[%get3A_377] : memref<10000xf32, #tpu.memory_space<vmem>>[vector<16xi32>], vector<16xf32>,
      %gather3A_382 = tpu.vector_load_idx %arg10[%get3A_380] : memref<10000xf32, #tpu.memory_space<vmem>>[vector<16xi32>], vector<16xf32>,
      %add3A_383 = arith.addf %gather3A_381, %gather3A_382 : vector<16xf32>
      %ge3A_384 = arith.constant 0.000000e+00 : f32
      %ge3A_385 = vector.broadcast %ge3A_384 : f32 to vector<16xf32>
      %ge3A_386 = arith.cmpf oge, %add3A_383, %ge3A_385 : vector<16xf32>
      %mul3A_387 = arith.constant 2.000000e-01 : f32
      %mul3A_388 = vector.broadcast %mul3A_387 : f32 to vector<16xf32>
      %mul3A_389 = arith.mulf %mul3A_388, %add3A_383 : vector<16xf32>
      %select_n3A_390 = arith.select %ge3A_386, %add3A_383, %mul3A_389 : vector<16xi1>, vector<16xf32>
      %sub3A_391 = arith.subf %select_n3A_390, %get3A_26 : vector<16xf32>
      %exp3A_392 = math.exp %sub3A_391 : vector<16xf32>
      %mul3A_393 = arith.constant 64 : i32
      %mul3A_394 = arith.muli %add3A_275, %mul3A_393 : i32
      %add3A_395 = arith.constant 48 : i32
      %add3A_396 = arith.addi %mul3A_394, %add3A_395 : i32
      %iota3A_397 = tpu.iota {dimensions = array<i32: 0>} : vector<16xi32>
      %add3A_398 = vector.broadcast %add3A_396 : i32 to vector<16xi32>
      %add3A_399 = arith.addi %add3A_398, %iota3A_397 : vector<16xi32>
      %lt3A_400 = arith.constant 10000 : i32
      %lt3A_401 = vector.broadcast %lt3A_400 : i32 to vector<16xi32>
      %lt3A_402 = arith.cmpi slt, %add3A_399, %lt3A_401 : vector<16xi32>
      %jit3A_403 = arith.constant 0.000000e+00 : f32
      %broadcast_in_dim3A_404 = vector.broadcast %jit3A_403 : f32 to vector<16xf32>
      %select_n3A_405 = arith.select %lt3A_402, %exp3A_392, %broadcast_in_dim3A_404 : vector<16xi1>, vector<16xf32>
      %swap3A_406 = arith.constant 48 : index
      %swap3A_407 = tpu.vector_load %arg15[%swap3A_406] {strides = array<i32>} : memref<64xf32, #tpu.memory_space<vmem>>, vector<16xf32>,
      tpu.vector_store %arg15[%swap3A_406], %select_n3A_405 {strides = array<i32>} : memref<64xf32, #tpu.memory_space<vmem>>, vector<16xf32>,
      %add3A_408 = arith.constant 1 : i32
      %add3A_409 = arith.addi %mul3A_273, %add3A_408 : i32
      %dma_start3A_410 = arith.constant 0 : i32
      %dma_start3A_411 = tpu.memref_slice %arg12[%add3A_409, %dma_start3A_410] : memref<161x64xi32, #tpu.memory_space<vmem>> -> memref<1x64xi32, #tpu.memory_space<vmem>>
      %dma_start3A_412 = tpu.memref_squeeze %dma_start3A_411 : memref<1x64xi32, #tpu.memory_space<vmem>> -> memref<64xi32, #tpu.memory_space<vmem>>
      %dma_start3A_413 = arith.constant 0 : i32
      %dma_start3A_414 = arith.constant 0 : i32
      %dma_start3A_415 = tpu.memref_slice %arg2[%arg0, %dma_start3A_413, %dma_start3A_414] : memref<2x10000x112xf32, #tpu.memory_space<hbm>> -> memref<1x10000x112xf32, #tpu.memory_space<hbm>>
      %dma_start3A_416 = tpu.memref_squeeze %dma_start3A_415 : memref<1x10000x112xf32, #tpu.memory_space<hbm>> -> memref<10000x112xf32, #tpu.memory_space<hbm>>
      %dma_start3A_417 = arith.constant 0 : i32
      %dma_start3A_418 = arith.constant 0 : i32
      %dma_start3A_419 = tpu.memref_slice %dma_start3A_416[%dma_start3A_417, %dma_start3A_418] : memref<10000x112xf32, #tpu.memory_space<hbm>> -> memref<10000x112xf32, #tpu.memory_space<hbm>>
      tpu.enqueue_indirect_dma source(%dma_start3A_419 : memref<10000x112xf32, #tpu.memory_space<hbm>>) target(%arg17 : memref<64x112xf32, #tpu.memory_space<vmem>>) offsets(%dma_start3A_412 : memref<64xi32, #tpu.memory_space<vmem>>) semaphore(%arg20 : memref<!tpu.dma_semaphore, #tpu.memory_space<semaphore_mem>>)
      %dma_wait3A_420 = arith.constant 0 : i32
      %dma_wait3A_421 = tpu.memref_slice %arg12[%mul3A_273, %dma_wait3A_420] : memref<161x64xi32, #tpu.memory_space<vmem>> -> memref<1x64xi32, #tpu.memory_space<vmem>>
      %dma_wait3A_422 = tpu.memref_squeeze %dma_wait3A_421 : memref<1x64xi32, #tpu.memory_space<vmem>> -> memref<64xi32, #tpu.memory_space<vmem>>
      %dma_wait3A_423 = arith.constant 0 : i32
      %dma_wait3A_424 = arith.constant 0 : i32
      %dma_wait3A_425 = tpu.memref_slice %arg2[%arg0, %dma_wait3A_423, %dma_wait3A_424] : memref<2x10000x112xf32, #tpu.memory_space<hbm>> -> memref<1x10000x112xf32, #tpu.memory_space<hbm>>
      %dma_wait3A_426 = tpu.memref_squeeze %dma_wait3A_425 : memref<1x10000x112xf32, #tpu.memory_space<hbm>> -> memref<10000x112xf32, #tpu.memory_space<hbm>>
      %dma_wait3A_427 = arith.constant 0 : i32
      %dma_wait3A_428 = arith.constant 0 : i32
      %dma_wait3A_429 = tpu.memref_slice %dma_wait3A_426[%dma_wait3A_427, %dma_wait3A_428] : memref<10000x112xf32, #tpu.memory_space<hbm>> -> memref<10000x112xf32, #tpu.memory_space<hbm>>
      tpu.wait_indirect_dma semaphore(%arg19 : memref<!tpu.dma_semaphore, #tpu.memory_space<semaphore_mem>>) src(%dma_wait3A_429 : memref<10000x112xf32, #tpu.memory_space<hbm>>) dst(%arg16 : memref<64x112xf32, #tpu.memory_space<vmem>>)
      %scan3A_430 = arith.constant 0 : i32
      %scan3A_431 = arith.constant 0 : i32
      %scan3A_432 = arith.constant 32 : i32
      %scan3A_433 = arith.addi %scan3A_431, %scan3A_432 : i32
      %scan3A_434 = arith.constant 1 : i32
      %scan3A_435 = scf.for %scan3A_605 = %scan3A_431 to %scan3A_433 step %scan3A_434 iter_args(%scan3A_606 = %scan3A_430) -> (i32)  : i32 {
        %mul3A_607 = arith.constant 2 : i32
        %mul3A_608 = arith.muli %mul3A_607, %scan3A_605 : i32
        %add3A_609 = arith.constant 0 : i32
        %add3A_610 = arith.addi %mul3A_608, %add3A_609 : i32
        %broadcast_in_dim3A_611 = vector.broadcast %add3A_610 : i32 to vector<16xi32>
        %gather3A_612 = tpu.vector_load_idx %arg14[%broadcast_in_dim3A_611] : memref<64xf32, #tpu.memory_space<vmem>>[vector<16xi32>], vector<16xf32>,
        %get3A_613 = arith.index_cast %add3A_610 : i32 to index
        %get3A_614 = arith.constant 0 : index
        %get3A_615 = tpu.vector_load %arg16[%get3A_613, %get3A_614] {strides = array<i32>} : memref<64x112xf32, #tpu.memory_space<vmem>>, vector<16xf32>,
        %mul3A_616 = arith.mulf %get3A_615, %gather3A_612 : vector<16xf32>
        %select_n3A_617 = arith.select %eq3A_34, %gather3A_612, %mul3A_616 : vector<16xi1>, vector<16xf32>
        %swap3A_618 = arith.index_cast %add3A_610 : i32 to index
        %swap3A_619 = arith.constant 0 : index
        %swap3A_620 = tpu.vector_load %arg16[%swap3A_618, %swap3A_619] {strides = array<i32>} : memref<64x112xf32, #tpu.memory_space<vmem>>, vector<16xf32>,
        tpu.vector_store %arg16[%swap3A_618, %swap3A_619], %select_n3A_617 {strides = array<i32>} : memref<64x112xf32, #tpu.memory_space<vmem>>, vector<16xf32>,
        %get3A_621 = arith.index_cast %add3A_610 : i32 to index
        %get3A_622 = arith.constant 16 : index
        %get3A_623 = tpu.vector_load %arg16[%get3A_621, %get3A_622] {strides = array<i32>} : memref<64x112xf32, #tpu.memory_space<vmem>>, vector<16xf32>,
        %mul3A_624 = arith.mulf %get3A_623, %gather3A_612 : vector<16xf32>
        %select_n3A_625 = arith.select %eq3A_42, %gather3A_612, %mul3A_624 : vector<16xi1>, vector<16xf32>
        %swap3A_626 = arith.index_cast %add3A_610 : i32 to index
        %swap3A_627 = arith.constant 16 : index
        %swap3A_628 = tpu.vector_load %arg16[%swap3A_626, %swap3A_627] {strides = array<i32>} : memref<64x112xf32, #tpu.memory_space<vmem>>, vector<16xf32>,
        tpu.vector_store %arg16[%swap3A_626, %swap3A_627], %select_n3A_625 {strides = array<i32>} : memref<64x112xf32, #tpu.memory_space<vmem>>, vector<16xf32>,
        %get3A_629 = arith.index_cast %add3A_610 : i32 to index
        %get3A_630 = arith.constant 32 : index
        %get3A_631 = tpu.vector_load %arg16[%get3A_629, %get3A_630] {strides = array<i32>} : memref<64x112xf32, #tpu.memory_space<vmem>>, vector<16xf32>,
        %mul3A_632 = arith.mulf %get3A_631, %gather3A_612 : vector<16xf32>
        %select_n3A_633 = arith.select %eq3A_50, %gather3A_612, %mul3A_632 : vector<16xi1>, vector<16xf32>
        %swap3A_634 = arith.index_cast %add3A_610 : i32 to index
        %swap3A_635 = arith.constant 32 : index
        %swap3A_636 = tpu.vector_load %arg16[%swap3A_634, %swap3A_635] {strides = array<i32>} : memref<64x112xf32, #tpu.memory_space<vmem>>, vector<16xf32>,
        tpu.vector_store %arg16[%swap3A_634, %swap3A_635], %select_n3A_633 {strides = array<i32>} : memref<64x112xf32, #tpu.memory_space<vmem>>, vector<16xf32>,
        %get3A_637 = arith.index_cast %add3A_610 : i32 to index
        %get3A_638 = arith.constant 48 : index
        %get3A_639 = tpu.vector_load %arg16[%get3A_637, %get3A_638] {strides = array<i32>} : memref<64x112xf32, #tpu.memory_space<vmem>>, vector<16xf32>,
        %mul3A_640 = arith.mulf %get3A_639, %gather3A_612 : vector<16xf32>
        %select_n3A_641 = arith.select %eq3A_58, %gather3A_612, %mul3A_640 : vector<16xi1>, vector<16xf32>
        %swap3A_642 = arith.index_cast %add3A_610 : i32 to index
        %swap3A_643 = arith.constant 48 : index
        %swap3A_644 = tpu.vector_load %arg16[%swap3A_642, %swap3A_643] {strides = array<i32>} : memref<64x112xf32, #tpu.memory_space<vmem>>, vector<16xf32>,
        tpu.vector_store %arg16[%swap3A_642, %swap3A_643], %select_n3A_641 {strides = array<i32>} : memref<64x112xf32, #tpu.memory_space<vmem>>, vector<16xf32>,
        %get3A_645 = arith.index_cast %add3A_610 : i32 to index
        %get3A_646 = arith.constant 64 : index
        %get3A_647 = tpu.vector_load %arg16[%get3A_645, %get3A_646] {strides = array<i32>} : memref<64x112xf32, #tpu.memory_space<vmem>>, vector<16xf32>,
        %mul3A_648 = arith.mulf %get3A_647, %gather3A_612 : vector<16xf32>
        %select_n3A_649 = arith.select %eq3A_66, %gather3A_612, %mul3A_648 : vector<16xi1>, vector<16xf32>
        %swap3A_650 = arith.index_cast %add3A_610 : i32 to index
        %swap3A_651 = arith.constant 64 : index
        %swap3A_652 = tpu.vector_load %arg16[%swap3A_650, %swap3A_651] {strides = array<i32>} : memref<64x112xf32, #tpu.memory_space<vmem>>, vector<16xf32>,
        tpu.vector_store %arg16[%swap3A_650, %swap3A_651], %select_n3A_649 {strides = array<i32>} : memref<64x112xf32, #tpu.memory_space<vmem>>, vector<16xf32>,
        %get3A_653 = arith.index_cast %add3A_610 : i32 to index
        %get3A_654 = arith.constant 80 : index
        %get3A_655 = tpu.vector_load %arg16[%get3A_653, %get3A_654] {strides = array<i32>} : memref<64x112xf32, #tpu.memory_space<vmem>>, vector<16xf32>,
        %mul3A_656 = arith.mulf %get3A_655, %gather3A_612 : vector<16xf32>
        %select_n3A_657 = arith.select %eq3A_74, %gather3A_612, %mul3A_656 : vector<16xi1>, vector<16xf32>
        %swap3A_658 = arith.index_cast %add3A_610 : i32 to index
        %swap3A_659 = arith.constant 80 : index
        %swap3A_660 = tpu.vector_load %arg16[%swap3A_658, %swap3A_659] {strides = array<i32>} : memref<64x112xf32, #tpu.memory_space<vmem>>, vector<16xf32>,
        tpu.vector_store %arg16[%swap3A_658, %swap3A_659], %select_n3A_657 {strides = array<i32>} : memref<64x112xf32, #tpu.memory_space<vmem>>, vector<16xf32>,
        %get3A_661 = arith.index_cast %add3A_610 : i32 to index
        %get3A_662 = arith.constant 96 : index
        %get3A_663 = tpu.vector_load %arg16[%get3A_661, %get3A_662] {strides = array<i32>} : memref<64x112xf32, #tpu.memory_space<vmem>>, vector<16xf32>,
        %mul3A_664 = arith.mulf %get3A_663, %gather3A_612 : vector<16xf32>
        %select_n3A_665 = arith.select %eq3A_82, %gather3A_612, %mul3A_664 : vector<16xi1>, vector<16xf32>
        %swap3A_666 = arith.index_cast %add3A_610 : i32 to index
        %swap3A_667 = arith.constant 96 : index
        %swap3A_668 = tpu.vector_load %arg16[%swap3A_666, %swap3A_667] {strides = array<i32>} : memref<64x112xf32, #tpu.memory_space<vmem>>, vector<16xf32>,
        tpu.vector_store %arg16[%swap3A_666, %swap3A_667], %select_n3A_665 {strides = array<i32>} : memref<64x112xf32, #tpu.memory_space<vmem>>, vector<16xf32>,
        %mul3A_669 = arith.constant 2 : i32
        %mul3A_670 = arith.muli %mul3A_669, %scan3A_605 : i32
        %add3A_671 = arith.constant 1 : i32
        %add3A_672 = arith.addi %mul3A_670, %add3A_671 : i32
        %broadcast_in_dim3A_673 = vector.broadcast %add3A_672 : i32 to vector<16xi32>
        %gather3A_674 = tpu.vector_load_idx %arg14[%broadcast_in_dim3A_673] : memref<64xf32, #tpu.memory_space<vmem>>[vector<16xi32>], vector<16xf32>,
        %get3A_675 = arith.index_cast %add3A_672 : i32 to index
        %get3A_676 = arith.constant 0 : index
        %get3A_677 = tpu.vector_load %arg16[%get3A_675, %get3A_676] {strides = array<i32>} : memref<64x112xf32, #tpu.memory_space<vmem>>, vector<16xf32>,
        %mul3A_678 = arith.mulf %get3A_677, %gather3A_674 : vector<16xf32>
        %select_n3A_679 = arith.select %eq3A_34, %gather3A_674, %mul3A_678 : vector<16xi1>, vector<16xf32>
        %swap3A_680 = arith.index_cast %add3A_672 : i32 to index
        %swap3A_681 = arith.constant 0 : index
        %swap3A_682 = tpu.vector_load %arg16[%swap3A_680, %swap3A_681] {strides = array<i32>} : memref<64x112xf32, #tpu.memory_space<vmem>>, vector<16xf32>,
        tpu.vector_store %arg16[%swap3A_680, %swap3A_681], %select_n3A_679 {strides = array<i32>} : memref<64x112xf32, #tpu.memory_space<vmem>>, vector<16xf32>,
        %get3A_683 = arith.index_cast %add3A_672 : i32 to index
        %get3A_684 = arith.constant 16 : index
        %get3A_685 = tpu.vector_load %arg16[%get3A_683, %get3A_684] {strides = array<i32>} : memref<64x112xf32, #tpu.memory_space<vmem>>, vector<16xf32>,
        %mul3A_686 = arith.mulf %get3A_685, %gather3A_674 : vector<16xf32>
        %select_n3A_687 = arith.select %eq3A_42, %gather3A_674, %mul3A_686 : vector<16xi1>, vector<16xf32>
        %swap3A_688 = arith.index_cast %add3A_672 : i32 to index
        %swap3A_689 = arith.constant 16 : index
        %swap3A_690 = tpu.vector_load %arg16[%swap3A_688, %swap3A_689] {strides = array<i32>} : memref<64x112xf32, #tpu.memory_space<vmem>>, vector<16xf32>,
        tpu.vector_store %arg16[%swap3A_688, %swap3A_689], %select_n3A_687 {strides = array<i32>} : memref<64x112xf32, #tpu.memory_space<vmem>>, vector<16xf32>,
        %get3A_691 = arith.index_cast %add3A_672 : i32 to index
        %get3A_692 = arith.constant 32 : index
        %get3A_693 = tpu.vector_load %arg16[%get3A_691, %get3A_692] {strides = array<i32>} : memref<64x112xf32, #tpu.memory_space<vmem>>, vector<16xf32>,
        %mul3A_694 = arith.mulf %get3A_693, %gather3A_674 : vector<16xf32>
        %select_n3A_695 = arith.select %eq3A_50, %gather3A_674, %mul3A_694 : vector<16xi1>, vector<16xf32>
        %swap3A_696 = arith.index_cast %add3A_672 : i32 to index
        %swap3A_697 = arith.constant 32 : index
        %swap3A_698 = tpu.vector_load %arg16[%swap3A_696, %swap3A_697] {strides = array<i32>} : memref<64x112xf32, #tpu.memory_space<vmem>>, vector<16xf32>,
        tpu.vector_store %arg16[%swap3A_696, %swap3A_697], %select_n3A_695 {strides = array<i32>} : memref<64x112xf32, #tpu.memory_space<vmem>>, vector<16xf32>,
        %get3A_699 = arith.index_cast %add3A_672 : i32 to index
        %get3A_700 = arith.constant 48 : index
        %get3A_701 = tpu.vector_load %arg16[%get3A_699, %get3A_700] {strides = array<i32>} : memref<64x112xf32, #tpu.memory_space<vmem>>, vector<16xf32>,
        %mul3A_702 = arith.mulf %get3A_701, %gather3A_674 : vector<16xf32>
        %select_n3A_703 = arith.select %eq3A_58, %gather3A_674, %mul3A_702 : vector<16xi1>, vector<16xf32>
        %swap3A_704 = arith.index_cast %add3A_672 : i32 to index
        %swap3A_705 = arith.constant 48 : index
        %swap3A_706 = tpu.vector_load %arg16[%swap3A_704, %swap3A_705] {strides = array<i32>} : memref<64x112xf32, #tpu.memory_space<vmem>>, vector<16xf32>,
        tpu.vector_store %arg16[%swap3A_704, %swap3A_705], %select_n3A_703 {strides = array<i32>} : memref<64x112xf32, #tpu.memory_space<vmem>>, vector<16xf32>,
        %get3A_707 = arith.index_cast %add3A_672 : i32 to index
        %get3A_708 = arith.constant 64 : index
        %get3A_709 = tpu.vector_load %arg16[%get3A_707, %get3A_708] {strides = array<i32>} : memref<64x112xf32, #tpu.memory_space<vmem>>, vector<16xf32>,
        %mul3A_710 = arith.mulf %get3A_709, %gather3A_674 : vector<16xf32>
        %select_n3A_711 = arith.select %eq3A_66, %gather3A_674, %mul3A_710 : vector<16xi1>, vector<16xf32>
        %swap3A_712 = arith.index_cast %add3A_672 : i32 to index
        %swap3A_713 = arith.constant 64 : index
        %swap3A_714 = tpu.vector_load %arg16[%swap3A_712, %swap3A_713] {strides = array<i32>} : memref<64x112xf32, #tpu.memory_space<vmem>>, vector<16xf32>,
        tpu.vector_store %arg16[%swap3A_712, %swap3A_713], %select_n3A_711 {strides = array<i32>} : memref<64x112xf32, #tpu.memory_space<vmem>>, vector<16xf32>,
        %get3A_715 = arith.index_cast %add3A_672 : i32 to index
        %get3A_716 = arith.constant 80 : index
        %get3A_717 = tpu.vector_load %arg16[%get3A_715, %get3A_716] {strides = array<i32>} : memref<64x112xf32, #tpu.memory_space<vmem>>, vector<16xf32>,
        %mul3A_718 = arith.mulf %get3A_717, %gather3A_674 : vector<16xf32>
        %select_n3A_719 = arith.select %eq3A_74, %gather3A_674, %mul3A_718 : vector<16xi1>, vector<16xf32>
        %swap3A_720 = arith.index_cast %add3A_672 : i32 to index
        %swap3A_721 = arith.constant 80 : index
        %swap3A_722 = tpu.vector_load %arg16[%swap3A_720, %swap3A_721] {strides = array<i32>} : memref<64x112xf32, #tpu.memory_space<vmem>>, vector<16xf32>,
        tpu.vector_store %arg16[%swap3A_720, %swap3A_721], %select_n3A_719 {strides = array<i32>} : memref<64x112xf32, #tpu.memory_space<vmem>>, vector<16xf32>,
        %get3A_723 = arith.index_cast %add3A_672 : i32 to index
        %get3A_724 = arith.constant 96 : index
        %get3A_725 = tpu.vector_load %arg16[%get3A_723, %get3A_724] {strides = array<i32>} : memref<64x112xf32, #tpu.memory_space<vmem>>, vector<16xf32>,
        %mul3A_726 = arith.mulf %get3A_725, %gather3A_674 : vector<16xf32>
        %select_n3A_727 = arith.select %eq3A_82, %gather3A_674, %mul3A_726 : vector<16xi1>, vector<16xf32>
        %swap3A_728 = arith.index_cast %add3A_672 : i32 to index
        %swap3A_729 = arith.constant 96 : index
        %swap3A_730 = tpu.vector_load %arg16[%swap3A_728, %swap3A_729] {strides = array<i32>} : memref<64x112xf32, #tpu.memory_space<vmem>>, vector<16xf32>,
        tpu.vector_store %arg16[%swap3A_728, %swap3A_729], %select_n3A_727 {strides = array<i32>} : memref<64x112xf32, #tpu.memory_space<vmem>>, vector<16xf32>,
        %scan3A_731 = arith.constant 0 : i32
        scf.yield %scan3A_731 : i32
      }
      %scan3A_436 = arith.constant 32 : i32
      "tpu.region"() ({
        %run_scoped3A = tpu.sem_alloc : memref<!tpu.dma_semaphore, #tpu.memory_space<semaphore_mem>>
        %dma_start3A_605 = arith.constant 0 : i32
        %dma_start3A_606 = tpu.memref_slice %arg13[%mul3A_273, %dma_start3A_605] : memref<161x64xi32, #tpu.memory_space<vmem>> -> memref<1x64xi32, #tpu.memory_space<vmem>>
        %dma_start3A_607 = tpu.memref_squeeze %dma_start3A_606 : memref<1x64xi32, #tpu.memory_space<vmem>> -> memref<64xi32, #tpu.memory_space<vmem>>
        %dma_start3A_608 = arith.constant 0 : i32
        %dma_start3A_609 = arith.constant 0 : i32
        %dma_start3A_610 = tpu.memref_slice %arg18[%dma_start3A_608, %dma_start3A_609] : memref<10240x112xf32, #tpu.memory_space<vmem_shared>> -> memref<10240x112xf32, #tpu.memory_space<vmem_shared>>
        tpu.enqueue_indirect_dma source(%arg16 : memref<64x112xf32, #tpu.memory_space<vmem>>) target(%dma_start3A_610 : memref<10240x112xf32, #tpu.memory_space<vmem_shared>>) offsets(%dma_start3A_607 : memref<64xi32, #tpu.memory_space<vmem>>) semaphore(%run_scoped3A : memref<!tpu.dma_semaphore, #tpu.memory_space<semaphore_mem>>) {add = true}
        %dma_wait3A_611 = arith.constant 0 : i32
        %dma_wait3A_612 = tpu.memref_slice %arg13[%mul3A_273, %dma_wait3A_611] : memref<161x64xi32, #tpu.memory_space<vmem>> -> memref<1x64xi32, #tpu.memory_space<vmem>>
        %dma_wait3A_613 = tpu.memref_squeeze %dma_wait3A_612 : memref<1x64xi32, #tpu.memory_space<vmem>> -> memref<64xi32, #tpu.memory_space<vmem>>
        %dma_wait3A_614 = arith.constant 0 : i32
        %dma_wait3A_615 = arith.constant 0 : i32
        %dma_wait3A_616 = tpu.memref_slice %arg18[%dma_wait3A_614, %dma_wait3A_615] : memref<10240x112xf32, #tpu.memory_space<vmem_shared>> -> memref<10240x112xf32, #tpu.memory_space<vmem_shared>>
        tpu.wait_indirect_dma semaphore(%run_scoped3A : memref<!tpu.dma_semaphore, #tpu.memory_space<semaphore_mem>>) src(%arg16 : memref<64x112xf32, #tpu.memory_space<vmem>>) dst(%dma_wait3A_616 : memref<10240x112xf32, #tpu.memory_space<vmem_shared>>)
        tpu.yield
      }) : () -> ()
      %mul3A_437 = arith.constant 2 : i32
      %mul3A_438 = arith.muli %mul3A_437, %scan3A_270 : i32
      %add3A_439 = arith.constant 1 : i32
      %add3A_440 = arith.addi %mul3A_438, %add3A_439 : i32
      %add3A_441 = arith.constant 1 : i32
      %add3A_442 = arith.addi %add3A_440, %add3A_441 : i32
      %get3A_443 = arith.index_cast %add3A_442 : i32 to index
      %get3A_444 = arith.constant 0 : index
      %get3A_445 = tpu.vector_load %arg12[%get3A_443, %get3A_444] {strides = array<i32>} : memref<161x64xi32, #tpu.memory_space<vmem>>, vector<16xi32>,
      %get3A_446 = arith.index_cast %add3A_442 : i32 to index
      %get3A_447 = arith.constant 0 : index
      %get3A_448 = tpu.vector_load %arg13[%get3A_446, %get3A_447] {strides = array<i32>} : memref<161x64xi32, #tpu.memory_space<vmem>>, vector<16xi32>,
      %gather3A_449 = tpu.vector_load_idx %arg9[%get3A_445] : memref<10000xf32, #tpu.memory_space<vmem>>[vector<16xi32>], vector<16xf32>,
      %gather3A_450 = tpu.vector_load_idx %arg10[%get3A_448] : memref<10000xf32, #tpu.memory_space<vmem>>[vector<16xi32>], vector<16xf32>,
      %add3A_451 = arith.addf %gather3A_449, %gather3A_450 : vector<16xf32>
      %ge3A_452 = arith.constant 0.000000e+00 : f32
      %ge3A_453 = vector.broadcast %ge3A_452 : f32 to vector<16xf32>
      %ge3A_454 = arith.cmpf oge, %add3A_451, %ge3A_453 : vector<16xf32>
      %mul3A_455 = arith.constant 2.000000e-01 : f32
      %mul3A_456 = vector.broadcast %mul3A_455 : f32 to vector<16xf32>
      %mul3A_457 = arith.mulf %mul3A_456, %add3A_451 : vector<16xf32>
      %select_n3A_458 = arith.select %ge3A_454, %add3A_451, %mul3A_457 : vector<16xi1>, vector<16xf32>
      %sub3A_459 = arith.subf %select_n3A_458, %get3A_26 : vector<16xf32>
      %exp3A_460 = math.exp %sub3A_459 : vector<16xf32>
      %mul3A_461 = arith.constant 64 : i32
      %mul3A_462 = arith.muli %add3A_442, %mul3A_461 : i32
      %add3A_463 = arith.constant 0 : i32
      %add3A_464 = arith.addi %mul3A_462, %add3A_463 : i32
      %iota3A_465 = tpu.iota {dimensions = array<i32: 0>} : vector<16xi32>
      %add3A_466 = vector.broadcast %add3A_464 : i32 to vector<16xi32>
      %add3A_467 = arith.addi %add3A_466, %iota3A_465 : vector<16xi32>
      %lt3A_468 = arith.constant 10000 : i32
      %lt3A_469 = vector.broadcast %lt3A_468 : i32 to vector<16xi32>
      %lt3A_470 = arith.cmpi slt, %add3A_467, %lt3A_469 : vector<16xi32>
      %jit3A_471 = arith.constant 0.000000e+00 : f32
      %broadcast_in_dim3A_472 = vector.broadcast %jit3A_471 : f32 to vector<16xf32>
      %select_n3A_473 = arith.select %lt3A_470, %exp3A_460, %broadcast_in_dim3A_472 : vector<16xi1>, vector<16xf32>
      %swap3A_474 = arith.constant 0 : index
      %swap3A_475 = tpu.vector_load %arg14[%swap3A_474] {strides = array<i32>} : memref<64xf32, #tpu.memory_space<vmem>>, vector<16xf32>,
      tpu.vector_store %arg14[%swap3A_474], %select_n3A_473 {strides = array<i32>} : memref<64xf32, #tpu.memory_space<vmem>>, vector<16xf32>,
      %get3A_476 = arith.index_cast %add3A_442 : i32 to index
      %get3A_477 = arith.constant 16 : index
      %get3A_478 = tpu.vector_load %arg12[%get3A_476, %get3A_477] {strides = array<i32>} : memref<161x64xi32, #tpu.memory_space<vmem>>, vector<16xi32>,
      %get3A_479 = arith.index_cast %add3A_442 : i32 to index
      %get3A_480 = arith.constant 16 : index
      %get3A_481 = tpu.vector_load %arg13[%get3A_479, %get3A_480] {strides = array<i32>} : memref<161x64xi32, #tpu.memory_space<vmem>>, vector<16xi32>,
      %gather3A_482 = tpu.vector_load_idx %arg9[%get3A_478] : memref<10000xf32, #tpu.memory_space<vmem>>[vector<16xi32>], vector<16xf32>,
      %gather3A_483 = tpu.vector_load_idx %arg10[%get3A_481] : memref<10000xf32, #tpu.memory_space<vmem>>[vector<16xi32>], vector<16xf32>,
      %add3A_484 = arith.addf %gather3A_482, %gather3A_483 : vector<16xf32>
      %ge3A_485 = arith.constant 0.000000e+00 : f32
      %ge3A_486 = vector.broadcast %ge3A_485 : f32 to vector<16xf32>
      %ge3A_487 = arith.cmpf oge, %add3A_484, %ge3A_486 : vector<16xf32>
      %mul3A_488 = arith.constant 2.000000e-01 : f32
      %mul3A_489 = vector.broadcast %mul3A_488 : f32 to vector<16xf32>
      %mul3A_490 = arith.mulf %mul3A_489, %add3A_484 : vector<16xf32>
      %select_n3A_491 = arith.select %ge3A_487, %add3A_484, %mul3A_490 : vector<16xi1>, vector<16xf32>
      %sub3A_492 = arith.subf %select_n3A_491, %get3A_26 : vector<16xf32>
      %exp3A_493 = math.exp %sub3A_492 : vector<16xf32>
      %mul3A_494 = arith.constant 64 : i32
      %mul3A_495 = arith.muli %add3A_442, %mul3A_494 : i32
      %add3A_496 = arith.constant 16 : i32
      %add3A_497 = arith.addi %mul3A_495, %add3A_496 : i32
      %iota3A_498 = tpu.iota {dimensions = array<i32: 0>} : vector<16xi32>
      %add3A_499 = vector.broadcast %add3A_497 : i32 to vector<16xi32>
      %add3A_500 = arith.addi %add3A_499, %iota3A_498 : vector<16xi32>
      %lt3A_501 = arith.constant 10000 : i32
      %lt3A_502 = vector.broadcast %lt3A_501 : i32 to vector<16xi32>
      %lt3A_503 = arith.cmpi slt, %add3A_500, %lt3A_502 : vector<16xi32>
      %jit3A_504 = arith.constant 0.000000e+00 : f32
      %broadcast_in_dim3A_505 = vector.broadcast %jit3A_504 : f32 to vector<16xf32>
      %select_n3A_506 = arith.select %lt3A_503, %exp3A_493, %broadcast_in_dim3A_505 : vector<16xi1>, vector<16xf32>
      %swap3A_507 = arith.constant 16 : index
      %swap3A_508 = tpu.vector_load %arg14[%swap3A_507] {strides = array<i32>} : memref<64xf32, #tpu.memory_space<vmem>>, vector<16xf32>,
      tpu.vector_store %arg14[%swap3A_507], %select_n3A_506 {strides = array<i32>} : memref<64xf32, #tpu.memory_space<vmem>>, vector<16xf32>,
      %get3A_509 = arith.index_cast %add3A_442 : i32 to index
      %get3A_510 = arith.constant 32 : index
      %get3A_511 = tpu.vector_load %arg12[%get3A_509, %get3A_510] {strides = array<i32>} : memref<161x64xi32, #tpu.memory_space<vmem>>, vector<16xi32>,
      %get3A_512 = arith.index_cast %add3A_442 : i32 to index
      %get3A_513 = arith.constant 32 : index
      %get3A_514 = tpu.vector_load %arg13[%get3A_512, %get3A_513] {strides = array<i32>} : memref<161x64xi32, #tpu.memory_space<vmem>>, vector<16xi32>,
      %gather3A_515 = tpu.vector_load_idx %arg9[%get3A_511] : memref<10000xf32, #tpu.memory_space<vmem>>[vector<16xi32>], vector<16xf32>,
      %gather3A_516 = tpu.vector_load_idx %arg10[%get3A_514] : memref<10000xf32, #tpu.memory_space<vmem>>[vector<16xi32>], vector<16xf32>,
      %add3A_517 = arith.addf %gather3A_515, %gather3A_516 : vector<16xf32>
      %ge3A_518 = arith.constant 0.000000e+00 : f32
      %ge3A_519 = vector.broadcast %ge3A_518 : f32 to vector<16xf32>
      %ge3A_520 = arith.cmpf oge, %add3A_517, %ge3A_519 : vector<16xf32>
      %mul3A_521 = arith.constant 2.000000e-01 : f32
      %mul3A_522 = vector.broadcast %mul3A_521 : f32 to vector<16xf32>
      %mul3A_523 = arith.mulf %mul3A_522, %add3A_517 : vector<16xf32>
      %select_n3A_524 = arith.select %ge3A_520, %add3A_517, %mul3A_523 : vector<16xi1>, vector<16xf32>
      %sub3A_525 = arith.subf %select_n3A_524, %get3A_26 : vector<16xf32>
      %exp3A_526 = math.exp %sub3A_525 : vector<16xf32>
      %mul3A_527 = arith.constant 64 : i32
      %mul3A_528 = arith.muli %add3A_442, %mul3A_527 : i32
      %add3A_529 = arith.constant 32 : i32
      %add3A_530 = arith.addi %mul3A_528, %add3A_529 : i32
      %iota3A_531 = tpu.iota {dimensions = array<i32: 0>} : vector<16xi32>
      %add3A_532 = vector.broadcast %add3A_530 : i32 to vector<16xi32>
      %add3A_533 = arith.addi %add3A_532, %iota3A_531 : vector<16xi32>
      %lt3A_534 = arith.constant 10000 : i32
      %lt3A_535 = vector.broadcast %lt3A_534 : i32 to vector<16xi32>
      %lt3A_536 = arith.cmpi slt, %add3A_533, %lt3A_535 : vector<16xi32>
      %jit3A_537 = arith.constant 0.000000e+00 : f32
      %broadcast_in_dim3A_538 = vector.broadcast %jit3A_537 : f32 to vector<16xf32>
      %select_n3A_539 = arith.select %lt3A_536, %exp3A_526, %broadcast_in_dim3A_538 : vector<16xi1>, vector<16xf32>
      %swap3A_540 = arith.constant 32 : index
      %swap3A_541 = tpu.vector_load %arg14[%swap3A_540] {strides = array<i32>} : memref<64xf32, #tpu.memory_space<vmem>>, vector<16xf32>,
      tpu.vector_store %arg14[%swap3A_540], %select_n3A_539 {strides = array<i32>} : memref<64xf32, #tpu.memory_space<vmem>>, vector<16xf32>,
      %get3A_542 = arith.index_cast %add3A_442 : i32 to index
      %get3A_543 = arith.constant 48 : index
      %get3A_544 = tpu.vector_load %arg12[%get3A_542, %get3A_543] {strides = array<i32>} : memref<161x64xi32, #tpu.memory_space<vmem>>, vector<16xi32>,
      %get3A_545 = arith.index_cast %add3A_442 : i32 to index
      %get3A_546 = arith.constant 48 : index
      %get3A_547 = tpu.vector_load %arg13[%get3A_545, %get3A_546] {strides = array<i32>} : memref<161x64xi32, #tpu.memory_space<vmem>>, vector<16xi32>,
      %gather3A_548 = tpu.vector_load_idx %arg9[%get3A_544] : memref<10000xf32, #tpu.memory_space<vmem>>[vector<16xi32>], vector<16xf32>,
      %gather3A_549 = tpu.vector_load_idx %arg10[%get3A_547] : memref<10000xf32, #tpu.memory_space<vmem>>[vector<16xi32>], vector<16xf32>,
      %add3A_550 = arith.addf %gather3A_548, %gather3A_549 : vector<16xf32>
      %ge3A_551 = arith.constant 0.000000e+00 : f32
      %ge3A_552 = vector.broadcast %ge3A_551 : f32 to vector<16xf32>
      %ge3A_553 = arith.cmpf oge, %add3A_550, %ge3A_552 : vector<16xf32>
      %mul3A_554 = arith.constant 2.000000e-01 : f32
      %mul3A_555 = vector.broadcast %mul3A_554 : f32 to vector<16xf32>
      %mul3A_556 = arith.mulf %mul3A_555, %add3A_550 : vector<16xf32>
      %select_n3A_557 = arith.select %ge3A_553, %add3A_550, %mul3A_556 : vector<16xi1>, vector<16xf32>
      %sub3A_558 = arith.subf %select_n3A_557, %get3A_26 : vector<16xf32>
      %exp3A_559 = math.exp %sub3A_558 : vector<16xf32>
      %mul3A_560 = arith.constant 64 : i32
      %mul3A_561 = arith.muli %add3A_442, %mul3A_560 : i32
      %add3A_562 = arith.constant 48 : i32
      %add3A_563 = arith.addi %mul3A_561, %add3A_562 : i32
      %iota3A_564 = tpu.iota {dimensions = array<i32: 0>} : vector<16xi32>
      %add3A_565 = vector.broadcast %add3A_563 : i32 to vector<16xi32>
      %add3A_566 = arith.addi %add3A_565, %iota3A_564 : vector<16xi32>
      %lt3A_567 = arith.constant 10000 : i32
      %lt3A_568 = vector.broadcast %lt3A_567 : i32 to vector<16xi32>
      %lt3A_569 = arith.cmpi slt, %add3A_566, %lt3A_568 : vector<16xi32>
      %jit3A_570 = arith.constant 0.000000e+00 : f32
      %broadcast_in_dim3A_571 = vector.broadcast %jit3A_570 : f32 to vector<16xf32>
      %select_n3A_572 = arith.select %lt3A_569, %exp3A_559, %broadcast_in_dim3A_571 : vector<16xi1>, vector<16xf32>
      %swap3A_573 = arith.constant 48 : index
      %swap3A_574 = tpu.vector_load %arg14[%swap3A_573] {strides = array<i32>} : memref<64xf32, #tpu.memory_space<vmem>>, vector<16xf32>,
      tpu.vector_store %arg14[%swap3A_573], %select_n3A_572 {strides = array<i32>} : memref<64xf32, #tpu.memory_space<vmem>>, vector<16xf32>,
      %add3A_575 = arith.constant 1 : i32
      %add3A_576 = arith.addi %add3A_440, %add3A_575 : i32
      %dma_start3A_577 = arith.constant 0 : i32
      %dma_start3A_578 = tpu.memref_slice %arg12[%add3A_576, %dma_start3A_577] : memref<161x64xi32, #tpu.memory_space<vmem>> -> memref<1x64xi32, #tpu.memory_space<vmem>>
      %dma_start3A_579 = tpu.memref_squeeze %dma_start3A_578 : memref<1x64xi32, #tpu.memory_space<vmem>> -> memref<64xi32, #tpu.memory_space<vmem>>
      %dma_start3A_580 = arith.constant 0 : i32
      %dma_start3A_581 = arith.constant 0 : i32
      %dma_start3A_582 = tpu.memref_slice %arg2[%arg0, %dma_start3A_580, %dma_start3A_581] : memref<2x10000x112xf32, #tpu.memory_space<hbm>> -> memref<1x10000x112xf32, #tpu.memory_space<hbm>>
      %dma_start3A_583 = tpu.memref_squeeze %dma_start3A_582 : memref<1x10000x112xf32, #tpu.memory_space<hbm>> -> memref<10000x112xf32, #tpu.memory_space<hbm>>
      %dma_start3A_584 = arith.constant 0 : i32
      %dma_start3A_585 = arith.constant 0 : i32
      %dma_start3A_586 = tpu.memref_slice %dma_start3A_583[%dma_start3A_584, %dma_start3A_585] : memref<10000x112xf32, #tpu.memory_space<hbm>> -> memref<10000x112xf32, #tpu.memory_space<hbm>>
      tpu.enqueue_indirect_dma source(%dma_start3A_586 : memref<10000x112xf32, #tpu.memory_space<hbm>>) target(%arg16 : memref<64x112xf32, #tpu.memory_space<vmem>>) offsets(%dma_start3A_579 : memref<64xi32, #tpu.memory_space<vmem>>) semaphore(%arg19 : memref<!tpu.dma_semaphore, #tpu.memory_space<semaphore_mem>>)
      %dma_wait3A_587 = arith.constant 0 : i32
      %dma_wait3A_588 = tpu.memref_slice %arg12[%add3A_440, %dma_wait3A_587] : memref<161x64xi32, #tpu.memory_space<vmem>> -> memref<1x64xi32, #tpu.memory_space<vmem>>
      %dma_wait3A_589 = tpu.memref_squeeze %dma_wait3A_588 : memref<1x64xi32, #tpu.memory_space<vmem>> -> memref<64xi32, #tpu.memory_space<vmem>>
      %dma_wait3A_590 = arith.constant 0 : i32
      %dma_wait3A_591 = arith.constant 0 : i32
      %dma_wait3A_592 = tpu.memref_slice %arg2[%arg0, %dma_wait3A_590, %dma_wait3A_591] : memref<2x10000x112xf32, #tpu.memory_space<hbm>> -> memref<1x10000x112xf32, #tpu.memory_space<hbm>>
      %dma_wait3A_593 = tpu.memref_squeeze %dma_wait3A_592 : memref<1x10000x112xf32, #tpu.memory_space<hbm>> -> memref<10000x112xf32, #tpu.memory_space<hbm>>
      %dma_wait3A_594 = arith.constant 0 : i32
      %dma_wait3A_595 = arith.constant 0 : i32
      %dma_wait3A_596 = tpu.memref_slice %dma_wait3A_593[%dma_wait3A_594, %dma_wait3A_595] : memref<10000x112xf32, #tpu.memory_space<hbm>> -> memref<10000x112xf32, #tpu.memory_space<hbm>>
      tpu.wait_indirect_dma semaphore(%arg20 : memref<!tpu.dma_semaphore, #tpu.memory_space<semaphore_mem>>) src(%dma_wait3A_596 : memref<10000x112xf32, #tpu.memory_space<hbm>>) dst(%arg17 : memref<64x112xf32, #tpu.memory_space<vmem>>)
      %scan3A_597 = arith.constant 0 : i32
      %scan3A_598 = arith.constant 0 : i32
      %scan3A_599 = arith.constant 32 : i32
      %scan3A_600 = arith.addi %scan3A_598, %scan3A_599 : i32
      %scan3A_601 = arith.constant 1 : i32
      %scan3A_602 = scf.for %scan3A_605 = %scan3A_598 to %scan3A_600 step %scan3A_601 iter_args(%scan3A_606 = %scan3A_597) -> (i32)  : i32 {
        %mul3A_607 = arith.constant 2 : i32
        %mul3A_608 = arith.muli %mul3A_607, %scan3A_605 : i32
        %add3A_609 = arith.constant 0 : i32
        %add3A_610 = arith.addi %mul3A_608, %add3A_609 : i32
        %broadcast_in_dim3A_611 = vector.broadcast %add3A_610 : i32 to vector<16xi32>
        %gather3A_612 = tpu.vector_load_idx %arg15[%broadcast_in_dim3A_611] : memref<64xf32, #tpu.memory_space<vmem>>[vector<16xi32>], vector<16xf32>,
        %get3A_613 = arith.index_cast %add3A_610 : i32 to index
        %get3A_614 = arith.constant 0 : index
        %get3A_615 = tpu.vector_load %arg17[%get3A_613, %get3A_614] {strides = array<i32>} : memref<64x112xf32, #tpu.memory_space<vmem>>, vector<16xf32>,
        %mul3A_616 = arith.mulf %get3A_615, %gather3A_612 : vector<16xf32>
        %select_n3A_617 = arith.select %eq3A_34, %gather3A_612, %mul3A_616 : vector<16xi1>, vector<16xf32>
        %swap3A_618 = arith.index_cast %add3A_610 : i32 to index
        %swap3A_619 = arith.constant 0 : index
        %swap3A_620 = tpu.vector_load %arg17[%swap3A_618, %swap3A_619] {strides = array<i32>} : memref<64x112xf32, #tpu.memory_space<vmem>>, vector<16xf32>,
        tpu.vector_store %arg17[%swap3A_618, %swap3A_619], %select_n3A_617 {strides = array<i32>} : memref<64x112xf32, #tpu.memory_space<vmem>>, vector<16xf32>,
        %get3A_621 = arith.index_cast %add3A_610 : i32 to index
        %get3A_622 = arith.constant 16 : index
        %get3A_623 = tpu.vector_load %arg17[%get3A_621, %get3A_622] {strides = array<i32>} : memref<64x112xf32, #tpu.memory_space<vmem>>, vector<16xf32>,
        %mul3A_624 = arith.mulf %get3A_623, %gather3A_612 : vector<16xf32>
        %select_n3A_625 = arith.select %eq3A_42, %gather3A_612, %mul3A_624 : vector<16xi1>, vector<16xf32>
        %swap3A_626 = arith.index_cast %add3A_610 : i32 to index
        %swap3A_627 = arith.constant 16 : index
        %swap3A_628 = tpu.vector_load %arg17[%swap3A_626, %swap3A_627] {strides = array<i32>} : memref<64x112xf32, #tpu.memory_space<vmem>>, vector<16xf32>,
        tpu.vector_store %arg17[%swap3A_626, %swap3A_627], %select_n3A_625 {strides = array<i32>} : memref<64x112xf32, #tpu.memory_space<vmem>>, vector<16xf32>,
        %get3A_629 = arith.index_cast %add3A_610 : i32 to index
        %get3A_630 = arith.constant 32 : index
        %get3A_631 = tpu.vector_load %arg17[%get3A_629, %get3A_630] {strides = array<i32>} : memref<64x112xf32, #tpu.memory_space<vmem>>, vector<16xf32>,
        %mul3A_632 = arith.mulf %get3A_631, %gather3A_612 : vector<16xf32>
        %select_n3A_633 = arith.select %eq3A_50, %gather3A_612, %mul3A_632 : vector<16xi1>, vector<16xf32>
        %swap3A_634 = arith.index_cast %add3A_610 : i32 to index
        %swap3A_635 = arith.constant 32 : index
        %swap3A_636 = tpu.vector_load %arg17[%swap3A_634, %swap3A_635] {strides = array<i32>} : memref<64x112xf32, #tpu.memory_space<vmem>>, vector<16xf32>,
        tpu.vector_store %arg17[%swap3A_634, %swap3A_635], %select_n3A_633 {strides = array<i32>} : memref<64x112xf32, #tpu.memory_space<vmem>>, vector<16xf32>,
        %get3A_637 = arith.index_cast %add3A_610 : i32 to index
        %get3A_638 = arith.constant 48 : index
        %get3A_639 = tpu.vector_load %arg17[%get3A_637, %get3A_638] {strides = array<i32>} : memref<64x112xf32, #tpu.memory_space<vmem>>, vector<16xf32>,
        %mul3A_640 = arith.mulf %get3A_639, %gather3A_612 : vector<16xf32>
        %select_n3A_641 = arith.select %eq3A_58, %gather3A_612, %mul3A_640 : vector<16xi1>, vector<16xf32>
        %swap3A_642 = arith.index_cast %add3A_610 : i32 to index
        %swap3A_643 = arith.constant 48 : index
        %swap3A_644 = tpu.vector_load %arg17[%swap3A_642, %swap3A_643] {strides = array<i32>} : memref<64x112xf32, #tpu.memory_space<vmem>>, vector<16xf32>,
        tpu.vector_store %arg17[%swap3A_642, %swap3A_643], %select_n3A_641 {strides = array<i32>} : memref<64x112xf32, #tpu.memory_space<vmem>>, vector<16xf32>,
        %get3A_645 = arith.index_cast %add3A_610 : i32 to index
        %get3A_646 = arith.constant 64 : index
        %get3A_647 = tpu.vector_load %arg17[%get3A_645, %get3A_646] {strides = array<i32>} : memref<64x112xf32, #tpu.memory_space<vmem>>, vector<16xf32>,
        %mul3A_648 = arith.mulf %get3A_647, %gather3A_612 : vector<16xf32>
        %select_n3A_649 = arith.select %eq3A_66, %gather3A_612, %mul3A_648 : vector<16xi1>, vector<16xf32>
        %swap3A_650 = arith.index_cast %add3A_610 : i32 to index
        %swap3A_651 = arith.constant 64 : index
        %swap3A_652 = tpu.vector_load %arg17[%swap3A_650, %swap3A_651] {strides = array<i32>} : memref<64x112xf32, #tpu.memory_space<vmem>>, vector<16xf32>,
        tpu.vector_store %arg17[%swap3A_650, %swap3A_651], %select_n3A_649 {strides = array<i32>} : memref<64x112xf32, #tpu.memory_space<vmem>>, vector<16xf32>,
        %get3A_653 = arith.index_cast %add3A_610 : i32 to index
        %get3A_654 = arith.constant 80 : index
        %get3A_655 = tpu.vector_load %arg17[%get3A_653, %get3A_654] {strides = array<i32>} : memref<64x112xf32, #tpu.memory_space<vmem>>, vector<16xf32>,
        %mul3A_656 = arith.mulf %get3A_655, %gather3A_612 : vector<16xf32>
        %select_n3A_657 = arith.select %eq3A_74, %gather3A_612, %mul3A_656 : vector<16xi1>, vector<16xf32>
        %swap3A_658 = arith.index_cast %add3A_610 : i32 to index
        %swap3A_659 = arith.constant 80 : index
        %swap3A_660 = tpu.vector_load %arg17[%swap3A_658, %swap3A_659] {strides = array<i32>} : memref<64x112xf32, #tpu.memory_space<vmem>>, vector<16xf32>,
        tpu.vector_store %arg17[%swap3A_658, %swap3A_659], %select_n3A_657 {strides = array<i32>} : memref<64x112xf32, #tpu.memory_space<vmem>>, vector<16xf32>,
        %get3A_661 = arith.index_cast %add3A_610 : i32 to index
        %get3A_662 = arith.constant 96 : index
        %get3A_663 = tpu.vector_load %arg17[%get3A_661, %get3A_662] {strides = array<i32>} : memref<64x112xf32, #tpu.memory_space<vmem>>, vector<16xf32>,
        %mul3A_664 = arith.mulf %get3A_663, %gather3A_612 : vector<16xf32>
        %select_n3A_665 = arith.select %eq3A_82, %gather3A_612, %mul3A_664 : vector<16xi1>, vector<16xf32>
        %swap3A_666 = arith.index_cast %add3A_610 : i32 to index
        %swap3A_667 = arith.constant 96 : index
        %swap3A_668 = tpu.vector_load %arg17[%swap3A_666, %swap3A_667] {strides = array<i32>} : memref<64x112xf32, #tpu.memory_space<vmem>>, vector<16xf32>,
        tpu.vector_store %arg17[%swap3A_666, %swap3A_667], %select_n3A_665 {strides = array<i32>} : memref<64x112xf32, #tpu.memory_space<vmem>>, vector<16xf32>,
        %mul3A_669 = arith.constant 2 : i32
        %mul3A_670 = arith.muli %mul3A_669, %scan3A_605 : i32
        %add3A_671 = arith.constant 1 : i32
        %add3A_672 = arith.addi %mul3A_670, %add3A_671 : i32
        %broadcast_in_dim3A_673 = vector.broadcast %add3A_672 : i32 to vector<16xi32>
        %gather3A_674 = tpu.vector_load_idx %arg15[%broadcast_in_dim3A_673] : memref<64xf32, #tpu.memory_space<vmem>>[vector<16xi32>], vector<16xf32>,
        %get3A_675 = arith.index_cast %add3A_672 : i32 to index
        %get3A_676 = arith.constant 0 : index
        %get3A_677 = tpu.vector_load %arg17[%get3A_675, %get3A_676] {strides = array<i32>} : memref<64x112xf32, #tpu.memory_space<vmem>>, vector<16xf32>,
        %mul3A_678 = arith.mulf %get3A_677, %gather3A_674 : vector<16xf32>
        %select_n3A_679 = arith.select %eq3A_34, %gather3A_674, %mul3A_678 : vector<16xi1>, vector<16xf32>
        %swap3A_680 = arith.index_cast %add3A_672 : i32 to index
        %swap3A_681 = arith.constant 0 : index
        %swap3A_682 = tpu.vector_load %arg17[%swap3A_680, %swap3A_681] {strides = array<i32>} : memref<64x112xf32, #tpu.memory_space<vmem>>, vector<16xf32>,
        tpu.vector_store %arg17[%swap3A_680, %swap3A_681], %select_n3A_679 {strides = array<i32>} : memref<64x112xf32, #tpu.memory_space<vmem>>, vector<16xf32>,
        %get3A_683 = arith.index_cast %add3A_672 : i32 to index
        %get3A_684 = arith.constant 16 : index
        %get3A_685 = tpu.vector_load %arg17[%get3A_683, %get3A_684] {strides = array<i32>} : memref<64x112xf32, #tpu.memory_space<vmem>>, vector<16xf32>,
        %mul3A_686 = arith.mulf %get3A_685, %gather3A_674 : vector<16xf32>
        %select_n3A_687 = arith.select %eq3A_42, %gather3A_674, %mul3A_686 : vector<16xi1>, vector<16xf32>
        %swap3A_688 = arith.index_cast %add3A_672 : i32 to index
        %swap3A_689 = arith.constant 16 : index
        %swap3A_690 = tpu.vector_load %arg17[%swap3A_688, %swap3A_689] {strides = array<i32>} : memref<64x112xf32, #tpu.memory_space<vmem>>, vector<16xf32>,
        tpu.vector_store %arg17[%swap3A_688, %swap3A_689], %select_n3A_687 {strides = array<i32>} : memref<64x112xf32, #tpu.memory_space<vmem>>, vector<16xf32>,
        %get3A_691 = arith.index_cast %add3A_672 : i32 to index
        %get3A_692 = arith.constant 32 : index
        %get3A_693 = tpu.vector_load %arg17[%get3A_691, %get3A_692] {strides = array<i32>} : memref<64x112xf32, #tpu.memory_space<vmem>>, vector<16xf32>,
        %mul3A_694 = arith.mulf %get3A_693, %gather3A_674 : vector<16xf32>
        %select_n3A_695 = arith.select %eq3A_50, %gather3A_674, %mul3A_694 : vector<16xi1>, vector<16xf32>
        %swap3A_696 = arith.index_cast %add3A_672 : i32 to index
        %swap3A_697 = arith.constant 32 : index
        %swap3A_698 = tpu.vector_load %arg17[%swap3A_696, %swap3A_697] {strides = array<i32>} : memref<64x112xf32, #tpu.memory_space<vmem>>, vector<16xf32>,
        tpu.vector_store %arg17[%swap3A_696, %swap3A_697], %select_n3A_695 {strides = array<i32>} : memref<64x112xf32, #tpu.memory_space<vmem>>, vector<16xf32>,
        %get3A_699 = arith.index_cast %add3A_672 : i32 to index
        %get3A_700 = arith.constant 48 : index
        %get3A_701 = tpu.vector_load %arg17[%get3A_699, %get3A_700] {strides = array<i32>} : memref<64x112xf32, #tpu.memory_space<vmem>>, vector<16xf32>,
        %mul3A_702 = arith.mulf %get3A_701, %gather3A_674 : vector<16xf32>
        %select_n3A_703 = arith.select %eq3A_58, %gather3A_674, %mul3A_702 : vector<16xi1>, vector<16xf32>
        %swap3A_704 = arith.index_cast %add3A_672 : i32 to index
        %swap3A_705 = arith.constant 48 : index
        %swap3A_706 = tpu.vector_load %arg17[%swap3A_704, %swap3A_705] {strides = array<i32>} : memref<64x112xf32, #tpu.memory_space<vmem>>, vector<16xf32>,
        tpu.vector_store %arg17[%swap3A_704, %swap3A_705], %select_n3A_703 {strides = array<i32>} : memref<64x112xf32, #tpu.memory_space<vmem>>, vector<16xf32>,
        %get3A_707 = arith.index_cast %add3A_672 : i32 to index
        %get3A_708 = arith.constant 64 : index
        %get3A_709 = tpu.vector_load %arg17[%get3A_707, %get3A_708] {strides = array<i32>} : memref<64x112xf32, #tpu.memory_space<vmem>>, vector<16xf32>,
        %mul3A_710 = arith.mulf %get3A_709, %gather3A_674 : vector<16xf32>
        %select_n3A_711 = arith.select %eq3A_66, %gather3A_674, %mul3A_710 : vector<16xi1>, vector<16xf32>
        %swap3A_712 = arith.index_cast %add3A_672 : i32 to index
        %swap3A_713 = arith.constant 64 : index
        %swap3A_714 = tpu.vector_load %arg17[%swap3A_712, %swap3A_713] {strides = array<i32>} : memref<64x112xf32, #tpu.memory_space<vmem>>, vector<16xf32>,
        tpu.vector_store %arg17[%swap3A_712, %swap3A_713], %select_n3A_711 {strides = array<i32>} : memref<64x112xf32, #tpu.memory_space<vmem>>, vector<16xf32>,
        %get3A_715 = arith.index_cast %add3A_672 : i32 to index
        %get3A_716 = arith.constant 80 : index
        %get3A_717 = tpu.vector_load %arg17[%get3A_715, %get3A_716] {strides = array<i32>} : memref<64x112xf32, #tpu.memory_space<vmem>>, vector<16xf32>,
        %mul3A_718 = arith.mulf %get3A_717, %gather3A_674 : vector<16xf32>
        %select_n3A_719 = arith.select %eq3A_74, %gather3A_674, %mul3A_718 : vector<16xi1>, vector<16xf32>
        %swap3A_720 = arith.index_cast %add3A_672 : i32 to index
        %swap3A_721 = arith.constant 80 : index
        %swap3A_722 = tpu.vector_load %arg17[%swap3A_720, %swap3A_721] {strides = array<i32>} : memref<64x112xf32, #tpu.memory_space<vmem>>, vector<16xf32>,
        tpu.vector_store %arg17[%swap3A_720, %swap3A_721], %select_n3A_719 {strides = array<i32>} : memref<64x112xf32, #tpu.memory_space<vmem>>, vector<16xf32>,
        %get3A_723 = arith.index_cast %add3A_672 : i32 to index
        %get3A_724 = arith.constant 96 : index
        %get3A_725 = tpu.vector_load %arg17[%get3A_723, %get3A_724] {strides = array<i32>} : memref<64x112xf32, #tpu.memory_space<vmem>>, vector<16xf32>,
        %mul3A_726 = arith.mulf %get3A_725, %gather3A_674 : vector<16xf32>
        %select_n3A_727 = arith.select %eq3A_82, %gather3A_674, %mul3A_726 : vector<16xi1>, vector<16xf32>
        %swap3A_728 = arith.index_cast %add3A_672 : i32 to index
        %swap3A_729 = arith.constant 96 : index
        %swap3A_730 = tpu.vector_load %arg17[%swap3A_728, %swap3A_729] {strides = array<i32>} : memref<64x112xf32, #tpu.memory_space<vmem>>, vector<16xf32>,
        tpu.vector_store %arg17[%swap3A_728, %swap3A_729], %select_n3A_727 {strides = array<i32>} : memref<64x112xf32, #tpu.memory_space<vmem>>, vector<16xf32>,
        %scan3A_731 = arith.constant 0 : i32
        scf.yield %scan3A_731 : i32
      }
      %scan3A_603 = arith.constant 32 : i32
      "tpu.region"() ({
        %run_scoped3A = tpu.sem_alloc : memref<!tpu.dma_semaphore, #tpu.memory_space<semaphore_mem>>
        %dma_start3A_605 = arith.constant 0 : i32
        %dma_start3A_606 = tpu.memref_slice %arg13[%add3A_440, %dma_start3A_605] : memref<161x64xi32, #tpu.memory_space<vmem>> -> memref<1x64xi32, #tpu.memory_space<vmem>>
        %dma_start3A_607 = tpu.memref_squeeze %dma_start3A_606 : memref<1x64xi32, #tpu.memory_space<vmem>> -> memref<64xi32, #tpu.memory_space<vmem>>
        %dma_start3A_608 = arith.constant 0 : i32
        %dma_start3A_609 = arith.constant 0 : i32
        %dma_start3A_610 = tpu.memref_slice %arg18[%dma_start3A_608, %dma_start3A_609] : memref<10240x112xf32, #tpu.memory_space<vmem_shared>> -> memref<10240x112xf32, #tpu.memory_space<vmem_shared>>
        tpu.enqueue_indirect_dma source(%arg17 : memref<64x112xf32, #tpu.memory_space<vmem>>) target(%dma_start3A_610 : memref<10240x112xf32, #tpu.memory_space<vmem_shared>>) offsets(%dma_start3A_607 : memref<64xi32, #tpu.memory_space<vmem>>) semaphore(%run_scoped3A : memref<!tpu.dma_semaphore, #tpu.memory_space<semaphore_mem>>) {add = true}
        %dma_wait3A_611 = arith.constant 0 : i32
        %dma_wait3A_612 = tpu.memref_slice %arg13[%add3A_440, %dma_wait3A_611] : memref<161x64xi32, #tpu.memory_space<vmem>> -> memref<1x64xi32, #tpu.memory_space<vmem>>
        %dma_wait3A_613 = tpu.memref_squeeze %dma_wait3A_612 : memref<1x64xi32, #tpu.memory_space<vmem>> -> memref<64xi32, #tpu.memory_space<vmem>>
        %dma_wait3A_614 = arith.constant 0 : i32
        %dma_wait3A_615 = arith.constant 0 : i32
        %dma_wait3A_616 = tpu.memref_slice %arg18[%dma_wait3A_614, %dma_wait3A_615] : memref<10240x112xf32, #tpu.memory_space<vmem_shared>> -> memref<10240x112xf32, #tpu.memory_space<vmem_shared>>
        tpu.wait_indirect_dma semaphore(%run_scoped3A : memref<!tpu.dma_semaphore, #tpu.memory_space<semaphore_mem>>) src(%arg17 : memref<64x112xf32, #tpu.memory_space<vmem>>) dst(%dma_wait3A_616 : memref<10240x112xf32, #tpu.memory_space<vmem_shared>>)
        tpu.yield
      }) : () -> ()
      %scan3A_604 = arith.constant 0 : i32
      scf.yield %scan3A_604 : i32
    }
    %scan3A_218 = arith.constant 80 : i32
    %dma_wait3A = arith.constant 160 : i32
    %dma_wait3A_219 = arith.constant 0 : i32
    %dma_wait3A_220 = tpu.memref_slice %arg12[%dma_wait3A, %dma_wait3A_219] : memref<161x64xi32, #tpu.memory_space<vmem>> -> memref<1x64xi32, #tpu.memory_space<vmem>>
    %dma_wait3A_221 = tpu.memref_squeeze %dma_wait3A_220 : memref<1x64xi32, #tpu.memory_space<vmem>> -> memref<64xi32, #tpu.memory_space<vmem>>
    %dma_wait3A_222 = arith.constant 0 : i32
    %dma_wait3A_223 = arith.constant 0 : i32
    %dma_wait3A_224 = tpu.memref_slice %arg2[%arg0, %dma_wait3A_222, %dma_wait3A_223] : memref<2x10000x112xf32, #tpu.memory_space<hbm>> -> memref<1x10000x112xf32, #tpu.memory_space<hbm>>
    %dma_wait3A_225 = tpu.memref_squeeze %dma_wait3A_224 : memref<1x10000x112xf32, #tpu.memory_space<hbm>> -> memref<10000x112xf32, #tpu.memory_space<hbm>>
    %dma_wait3A_226 = arith.constant 0 : i32
    %dma_wait3A_227 = arith.constant 0 : i32
    %dma_wait3A_228 = tpu.memref_slice %dma_wait3A_225[%dma_wait3A_226, %dma_wait3A_227] : memref<10000x112xf32, #tpu.memory_space<hbm>> -> memref<10000x112xf32, #tpu.memory_space<hbm>>
    tpu.wait_indirect_dma semaphore(%arg19 : memref<!tpu.dma_semaphore, #tpu.memory_space<semaphore_mem>>) src(%dma_wait3A_228 : memref<10000x112xf32, #tpu.memory_space<hbm>>) dst(%arg16 : memref<64x112xf32, #tpu.memory_space<vmem>>)
    %barrier3A_229 = arith.constant 0 : index
    tpu.barrier barrier_id(%barrier3A_229)
    %add3A_230 = arith.constant 0 : i32
    %add3A_231 = arith.addi %mul3A_6, %add3A_230 : i32
    %add3A_232 = arith.constant 0 : i32
    %add3A_233 = arith.addi %mul3A_6, %add3A_232 : i32
    "tpu.region"() ({
      %run_scoped3A = tpu.sem_alloc : memref<!tpu.dma_semaphore, #tpu.memory_space<semaphore_mem>>
      %dma_start3A_270 = arith.constant 0 : i32
      %dma_start3A_271 = tpu.memref_slice %arg8[%arg0, %add3A_233, %dma_start3A_270] : memref<2x10240x112xf32, #tpu.memory_space<hbm>> -> memref<1x64x112xf32, #tpu.memory_space<hbm>>
      %dma_start3A_272 = tpu.memref_squeeze %dma_start3A_271 : memref<1x64x112xf32, #tpu.memory_space<hbm>> -> memref<64x112xf32, #tpu.memory_space<hbm>>
      %dma_start3A_273 = arith.constant 0 : i32
      %dma_start3A_274 = tpu.memref_slice %arg18[%add3A_231, %dma_start3A_273] : memref<10240x112xf32, #tpu.memory_space<vmem_shared>> -> memref<64x112xf32, #tpu.memory_space<vmem_shared>>
      tpu.enqueue_dma source(%dma_start3A_274 : memref<64x112xf32, #tpu.memory_space<vmem_shared>>) target(%dma_start3A_272 : memref<64x112xf32, #tpu.memory_space<hbm>>) target_semaphore(%run_scoped3A : memref<!tpu.dma_semaphore, #tpu.memory_space<semaphore_mem>>)
      %dma_wait3A_275 = arith.constant 0 : i32
      %dma_wait3A_276 = tpu.memref_slice %arg8[%arg0, %add3A_233, %dma_wait3A_275] : memref<2x10240x112xf32, #tpu.memory_space<hbm>> -> memref<1x64x112xf32, #tpu.memory_space<hbm>>
      %dma_wait3A_277 = tpu.memref_squeeze %dma_wait3A_276 : memref<1x64x112xf32, #tpu.memory_space<hbm>> -> memref<64x112xf32, #tpu.memory_space<hbm>>
      %dma_wait3A_278 = arith.constant 0 : i32
      %dma_wait3A_279 = tpu.memref_slice %arg18[%add3A_231, %dma_wait3A_278] : memref<10240x112xf32, #tpu.memory_space<vmem_shared>> -> memref<64x112xf32, #tpu.memory_space<vmem_shared>>
      tpu.wait_dma2 semaphore(%run_scoped3A : memref<!tpu.dma_semaphore, #tpu.memory_space<semaphore_mem>>) src(%dma_wait3A_279 : memref<64x112xf32, #tpu.memory_space<vmem_shared>>) dst(%dma_wait3A_277 : memref<64x112xf32, #tpu.memory_space<hbm>>)
      tpu.yield
    }) : () -> ()
    %add3A_234 = arith.constant 64 : i32
    %add3A_235 = arith.addi %mul3A_6, %add3A_234 : i32
    %add3A_236 = arith.constant 64 : i32
    %add3A_237 = arith.addi %mul3A_6, %add3A_236 : i32
    "tpu.region"() ({
      %run_scoped3A = tpu.sem_alloc : memref<!tpu.dma_semaphore, #tpu.memory_space<semaphore_mem>>
      %dma_start3A_270 = arith.constant 0 : i32
      %dma_start3A_271 = tpu.memref_slice %arg8[%arg0, %add3A_237, %dma_start3A_270] : memref<2x10240x112xf32, #tpu.memory_space<hbm>> -> memref<1x64x112xf32, #tpu.memory_space<hbm>>
      %dma_start3A_272 = tpu.memref_squeeze %dma_start3A_271 : memref<1x64x112xf32, #tpu.memory_space<hbm>> -> memref<64x112xf32, #tpu.memory_space<hbm>>
      %dma_start3A_273 = arith.constant 0 : i32
      %dma_start3A_274 = tpu.memref_slice %arg18[%add3A_235, %dma_start3A_273] : memref<10240x112xf32, #tpu.memory_space<vmem_shared>> -> memref<64x112xf32, #tpu.memory_space<vmem_shared>>
      tpu.enqueue_dma source(%dma_start3A_274 : memref<64x112xf32, #tpu.memory_space<vmem_shared>>) target(%dma_start3A_272 : memref<64x112xf32, #tpu.memory_space<hbm>>) target_semaphore(%run_scoped3A : memref<!tpu.dma_semaphore, #tpu.memory_space<semaphore_mem>>)
      %dma_wait3A_275 = arith.constant 0 : i32
      %dma_wait3A_276 = tpu.memref_slice %arg8[%arg0, %add3A_237, %dma_wait3A_275] : memref<2x10240x112xf32, #tpu.memory_space<hbm>> -> memref<1x64x112xf32, #tpu.memory_space<hbm>>
      %dma_wait3A_277 = tpu.memref_squeeze %dma_wait3A_276 : memref<1x64x112xf32, #tpu.memory_space<hbm>> -> memref<64x112xf32, #tpu.memory_space<hbm>>
      %dma_wait3A_278 = arith.constant 0 : i32
      %dma_wait3A_279 = tpu.memref_slice %arg18[%add3A_235, %dma_wait3A_278] : memref<10240x112xf32, #tpu.memory_space<vmem_shared>> -> memref<64x112xf32, #tpu.memory_space<vmem_shared>>
      tpu.wait_dma2 semaphore(%run_scoped3A : memref<!tpu.dma_semaphore, #tpu.memory_space<semaphore_mem>>) src(%dma_wait3A_279 : memref<64x112xf32, #tpu.memory_space<vmem_shared>>) dst(%dma_wait3A_277 : memref<64x112xf32, #tpu.memory_space<hbm>>)
      tpu.yield
    }) : () -> ()
    %add3A_238 = arith.constant 128 : i32
    %add3A_239 = arith.addi %mul3A_6, %add3A_238 : i32
    %add3A_240 = arith.constant 128 : i32
    %add3A_241 = arith.addi %mul3A_6, %add3A_240 : i32
    "tpu.region"() ({
      %run_scoped3A = tpu.sem_alloc : memref<!tpu.dma_semaphore, #tpu.memory_space<semaphore_mem>>
      %dma_start3A_270 = arith.constant 0 : i32
      %dma_start3A_271 = tpu.memref_slice %arg8[%arg0, %add3A_241, %dma_start3A_270] : memref<2x10240x112xf32, #tpu.memory_space<hbm>> -> memref<1x64x112xf32, #tpu.memory_space<hbm>>
      %dma_start3A_272 = tpu.memref_squeeze %dma_start3A_271 : memref<1x64x112xf32, #tpu.memory_space<hbm>> -> memref<64x112xf32, #tpu.memory_space<hbm>>
      %dma_start3A_273 = arith.constant 0 : i32
      %dma_start3A_274 = tpu.memref_slice %arg18[%add3A_239, %dma_start3A_273] : memref<10240x112xf32, #tpu.memory_space<vmem_shared>> -> memref<64x112xf32, #tpu.memory_space<vmem_shared>>
      tpu.enqueue_dma source(%dma_start3A_274 : memref<64x112xf32, #tpu.memory_space<vmem_shared>>) target(%dma_start3A_272 : memref<64x112xf32, #tpu.memory_space<hbm>>) target_semaphore(%run_scoped3A : memref<!tpu.dma_semaphore, #tpu.memory_space<semaphore_mem>>)
      %dma_wait3A_275 = arith.constant 0 : i32
      %dma_wait3A_276 = tpu.memref_slice %arg8[%arg0, %add3A_241, %dma_wait3A_275] : memref<2x10240x112xf32, #tpu.memory_space<hbm>> -> memref<1x64x112xf32, #tpu.memory_space<hbm>>
      %dma_wait3A_277 = tpu.memref_squeeze %dma_wait3A_276 : memref<1x64x112xf32, #tpu.memory_space<hbm>> -> memref<64x112xf32, #tpu.memory_space<hbm>>
      %dma_wait3A_278 = arith.constant 0 : i32
      %dma_wait3A_279 = tpu.memref_slice %arg18[%add3A_239, %dma_wait3A_278] : memref<10240x112xf32, #tpu.memory_space<vmem_shared>> -> memref<64x112xf32, #tpu.memory_space<vmem_shared>>
      tpu.wait_dma2 semaphore(%run_scoped3A : memref<!tpu.dma_semaphore, #tpu.memory_space<semaphore_mem>>) src(%dma_wait3A_279 : memref<64x112xf32, #tpu.memory_space<vmem_shared>>) dst(%dma_wait3A_277 : memref<64x112xf32, #tpu.memory_space<hbm>>)
      tpu.yield
    }) : () -> ()
    %add3A_242 = arith.constant 192 : i32
    %add3A_243 = arith.addi %mul3A_6, %add3A_242 : i32
    %add3A_244 = arith.constant 192 : i32
    %add3A_245 = arith.addi %mul3A_6, %add3A_244 : i32
    "tpu.region"() ({
      %run_scoped3A = tpu.sem_alloc : memref<!tpu.dma_semaphore, #tpu.memory_space<semaphore_mem>>
      %dma_start3A_270 = arith.constant 0 : i32
      %dma_start3A_271 = tpu.memref_slice %arg8[%arg0, %add3A_245, %dma_start3A_270] : memref<2x10240x112xf32, #tpu.memory_space<hbm>> -> memref<1x64x112xf32, #tpu.memory_space<hbm>>
      %dma_start3A_272 = tpu.memref_squeeze %dma_start3A_271 : memref<1x64x112xf32, #tpu.memory_space<hbm>> -> memref<64x112xf32, #tpu.memory_space<hbm>>
      %dma_start3A_273 = arith.constant 0 : i32
      %dma_start3A_274 = tpu.memref_slice %arg18[%add3A_243, %dma_start3A_273] : memref<10240x112xf32, #tpu.memory_space<vmem_shared>> -> memref<64x112xf32, #tpu.memory_space<vmem_shared>>
      tpu.enqueue_dma source(%dma_start3A_274 : memref<64x112xf32, #tpu.memory_space<vmem_shared>>) target(%dma_start3A_272 : memref<64x112xf32, #tpu.memory_space<hbm>>) target_semaphore(%run_scoped3A : memref<!tpu.dma_semaphore, #tpu.memory_space<semaphore_mem>>)
      %dma_wait3A_275 = arith.constant 0 : i32
      %dma_wait3A_276 = tpu.memref_slice %arg8[%arg0, %add3A_245, %dma_wait3A_275] : memref<2x10240x112xf32, #tpu.memory_space<hbm>> -> memref<1x64x112xf32, #tpu.memory_space<hbm>>
      %dma_wait3A_277 = tpu.memref_squeeze %dma_wait3A_276 : memref<1x64x112xf32, #tpu.memory_space<hbm>> -> memref<64x112xf32, #tpu.memory_space<hbm>>
      %dma_wait3A_278 = arith.constant 0 : i32
      %dma_wait3A_279 = tpu.memref_slice %arg18[%add3A_243, %dma_wait3A_278] : memref<10240x112xf32, #tpu.memory_space<vmem_shared>> -> memref<64x112xf32, #tpu.memory_space<vmem_shared>>
      tpu.wait_dma2 semaphore(%run_scoped3A : memref<!tpu.dma_semaphore, #tpu.memory_space<semaphore_mem>>) src(%dma_wait3A_279 : memref<64x112xf32, #tpu.memory_space<vmem_shared>>) dst(%dma_wait3A_277 : memref<64x112xf32, #tpu.memory_space<hbm>>)
      tpu.yield
    }) : () -> ()
    %add3A_246 = arith.constant 256 : i32
    %add3A_247 = arith.addi %mul3A_6, %add3A_246 : i32
    %add3A_248 = arith.constant 256 : i32
    %add3A_249 = arith.addi %mul3A_6, %add3A_248 : i32
    "tpu.region"() ({
      %run_scoped3A = tpu.sem_alloc : memref<!tpu.dma_semaphore, #tpu.memory_space<semaphore_mem>>
      %dma_start3A_270 = arith.constant 0 : i32
      %dma_start3A_271 = tpu.memref_slice %arg8[%arg0, %add3A_249, %dma_start3A_270] : memref<2x10240x112xf32, #tpu.memory_space<hbm>> -> memref<1x64x112xf32, #tpu.memory_space<hbm>>
      %dma_start3A_272 = tpu.memref_squeeze %dma_start3A_271 : memref<1x64x112xf32, #tpu.memory_space<hbm>> -> memref<64x112xf32, #tpu.memory_space<hbm>>
      %dma_start3A_273 = arith.constant 0 : i32
      %dma_start3A_274 = tpu.memref_slice %arg18[%add3A_247, %dma_start3A_273] : memref<10240x112xf32, #tpu.memory_space<vmem_shared>> -> memref<64x112xf32, #tpu.memory_space<vmem_shared>>
      tpu.enqueue_dma source(%dma_start3A_274 : memref<64x112xf32, #tpu.memory_space<vmem_shared>>) target(%dma_start3A_272 : memref<64x112xf32, #tpu.memory_space<hbm>>) target_semaphore(%run_scoped3A : memref<!tpu.dma_semaphore, #tpu.memory_space<semaphore_mem>>)
      %dma_wait3A_275 = arith.constant 0 : i32
      %dma_wait3A_276 = tpu.memref_slice %arg8[%arg0, %add3A_249, %dma_wait3A_275] : memref<2x10240x112xf32, #tpu.memory_space<hbm>> -> memref<1x64x112xf32, #tpu.memory_space<hbm>>
      %dma_wait3A_277 = tpu.memref_squeeze %dma_wait3A_276 : memref<1x64x112xf32, #tpu.memory_space<hbm>> -> memref<64x112xf32, #tpu.memory_space<hbm>>
      %dma_wait3A_278 = arith.constant 0 : i32
      %dma_wait3A_279 = tpu.memref_slice %arg18[%add3A_247, %dma_wait3A_278] : memref<10240x112xf32, #tpu.memory_space<vmem_shared>> -> memref<64x112xf32, #tpu.memory_space<vmem_shared>>
      tpu.wait_dma2 semaphore(%run_scoped3A : memref<!tpu.dma_semaphore, #tpu.memory_space<semaphore_mem>>) src(%dma_wait3A_279 : memref<64x112xf32, #tpu.memory_space<vmem_shared>>) dst(%dma_wait3A_277 : memref<64x112xf32, #tpu.memory_space<hbm>>)
      tpu.yield
    }) : () -> ()
    %add3A_250 = arith.constant 320 : i32
    %add3A_251 = arith.addi %mul3A_6, %add3A_250 : i32
    %add3A_252 = arith.constant 320 : i32
    %add3A_253 = arith.addi %mul3A_6, %add3A_252 : i32
    "tpu.region"() ({
      %run_scoped3A = tpu.sem_alloc : memref<!tpu.dma_semaphore, #tpu.memory_space<semaphore_mem>>
      %dma_start3A_270 = arith.constant 0 : i32
      %dma_start3A_271 = tpu.memref_slice %arg8[%arg0, %add3A_253, %dma_start3A_270] : memref<2x10240x112xf32, #tpu.memory_space<hbm>> -> memref<1x64x112xf32, #tpu.memory_space<hbm>>
      %dma_start3A_272 = tpu.memref_squeeze %dma_start3A_271 : memref<1x64x112xf32, #tpu.memory_space<hbm>> -> memref<64x112xf32, #tpu.memory_space<hbm>>
      %dma_start3A_273 = arith.constant 0 : i32
      %dma_start3A_274 = tpu.memref_slice %arg18[%add3A_251, %dma_start3A_273] : memref<10240x112xf32, #tpu.memory_space<vmem_shared>> -> memref<64x112xf32, #tpu.memory_space<vmem_shared>>
      tpu.enqueue_dma source(%dma_start3A_274 : memref<64x112xf32, #tpu.memory_space<vmem_shared>>) target(%dma_start3A_272 : memref<64x112xf32, #tpu.memory_space<hbm>>) target_semaphore(%run_scoped3A : memref<!tpu.dma_semaphore, #tpu.memory_space<semaphore_mem>>)
      %dma_wait3A_275 = arith.constant 0 : i32
      %dma_wait3A_276 = tpu.memref_slice %arg8[%arg0, %add3A_253, %dma_wait3A_275] : memref<2x10240x112xf32, #tpu.memory_space<hbm>> -> memref<1x64x112xf32, #tpu.memory_space<hbm>>
      %dma_wait3A_277 = tpu.memref_squeeze %dma_wait3A_276 : memref<1x64x112xf32, #tpu.memory_space<hbm>> -> memref<64x112xf32, #tpu.memory_space<hbm>>
      %dma_wait3A_278 = arith.constant 0 : i32
      %dma_wait3A_279 = tpu.memref_slice %arg18[%add3A_251, %dma_wait3A_278] : memref<10240x112xf32, #tpu.memory_space<vmem_shared>> -> memref<64x112xf32, #tpu.memory_space<vmem_shared>>
      tpu.wait_dma2 semaphore(%run_scoped3A : memref<!tpu.dma_semaphore, #tpu.memory_space<semaphore_mem>>) src(%dma_wait3A_279 : memref<64x112xf32, #tpu.memory_space<vmem_shared>>) dst(%dma_wait3A_277 : memref<64x112xf32, #tpu.memory_space<hbm>>)
      tpu.yield
    }) : () -> ()
    %add3A_254 = arith.constant 384 : i32
    %add3A_255 = arith.addi %mul3A_6, %add3A_254 : i32
    %add3A_256 = arith.constant 384 : i32
    %add3A_257 = arith.addi %mul3A_6, %add3A_256 : i32
    "tpu.region"() ({
      %run_scoped3A = tpu.sem_alloc : memref<!tpu.dma_semaphore, #tpu.memory_space<semaphore_mem>>
      %dma_start3A_270 = arith.constant 0 : i32
      %dma_start3A_271 = tpu.memref_slice %arg8[%arg0, %add3A_257, %dma_start3A_270] : memref<2x10240x112xf32, #tpu.memory_space<hbm>> -> memref<1x64x112xf32, #tpu.memory_space<hbm>>
      %dma_start3A_272 = tpu.memref_squeeze %dma_start3A_271 : memref<1x64x112xf32, #tpu.memory_space<hbm>> -> memref<64x112xf32, #tpu.memory_space<hbm>>
      %dma_start3A_273 = arith.constant 0 : i32
      %dma_start3A_274 = tpu.memref_slice %arg18[%add3A_255, %dma_start3A_273] : memref<10240x112xf32, #tpu.memory_space<vmem_shared>> -> memref<64x112xf32, #tpu.memory_space<vmem_shared>>
      tpu.enqueue_dma source(%dma_start3A_274 : memref<64x112xf32, #tpu.memory_space<vmem_shared>>) target(%dma_start3A_272 : memref<64x112xf32, #tpu.memory_space<hbm>>) target_semaphore(%run_scoped3A : memref<!tpu.dma_semaphore, #tpu.memory_space<semaphore_mem>>)
      %dma_wait3A_275 = arith.constant 0 : i32
      %dma_wait3A_276 = tpu.memref_slice %arg8[%arg0, %add3A_257, %dma_wait3A_275] : memref<2x10240x112xf32, #tpu.memory_space<hbm>> -> memref<1x64x112xf32, #tpu.memory_space<hbm>>
      %dma_wait3A_277 = tpu.memref_squeeze %dma_wait3A_276 : memref<1x64x112xf32, #tpu.memory_space<hbm>> -> memref<64x112xf32, #tpu.memory_space<hbm>>
      %dma_wait3A_278 = arith.constant 0 : i32
      %dma_wait3A_279 = tpu.memref_slice %arg18[%add3A_255, %dma_wait3A_278] : memref<10240x112xf32, #tpu.memory_space<vmem_shared>> -> memref<64x112xf32, #tpu.memory_space<vmem_shared>>
      tpu.wait_dma2 semaphore(%run_scoped3A : memref<!tpu.dma_semaphore, #tpu.memory_space<semaphore_mem>>) src(%dma_wait3A_279 : memref<64x112xf32, #tpu.memory_space<vmem_shared>>) dst(%dma_wait3A_277 : memref<64x112xf32, #tpu.memory_space<hbm>>)
      tpu.yield
    }) : () -> ()
    %add3A_258 = arith.constant 448 : i32
    %add3A_259 = arith.addi %mul3A_6, %add3A_258 : i32
    %add3A_260 = arith.constant 448 : i32
    %add3A_261 = arith.addi %mul3A_6, %add3A_260 : i32
    "tpu.region"() ({
      %run_scoped3A = tpu.sem_alloc : memref<!tpu.dma_semaphore, #tpu.memory_space<semaphore_mem>>
      %dma_start3A_270 = arith.constant 0 : i32
      %dma_start3A_271 = tpu.memref_slice %arg8[%arg0, %add3A_261, %dma_start3A_270] : memref<2x10240x112xf32, #tpu.memory_space<hbm>> -> memref<1x64x112xf32, #tpu.memory_space<hbm>>
      %dma_start3A_272 = tpu.memref_squeeze %dma_start3A_271 : memref<1x64x112xf32, #tpu.memory_space<hbm>> -> memref<64x112xf32, #tpu.memory_space<hbm>>
      %dma_start3A_273 = arith.constant 0 : i32
      %dma_start3A_274 = tpu.memref_slice %arg18[%add3A_259, %dma_start3A_273] : memref<10240x112xf32, #tpu.memory_space<vmem_shared>> -> memref<64x112xf32, #tpu.memory_space<vmem_shared>>
      tpu.enqueue_dma source(%dma_start3A_274 : memref<64x112xf32, #tpu.memory_space<vmem_shared>>) target(%dma_start3A_272 : memref<64x112xf32, #tpu.memory_space<hbm>>) target_semaphore(%run_scoped3A : memref<!tpu.dma_semaphore, #tpu.memory_space<semaphore_mem>>)
      %dma_wait3A_275 = arith.constant 0 : i32
      %dma_wait3A_276 = tpu.memref_slice %arg8[%arg0, %add3A_261, %dma_wait3A_275] : memref<2x10240x112xf32, #tpu.memory_space<hbm>> -> memref<1x64x112xf32, #tpu.memory_space<hbm>>
      %dma_wait3A_277 = tpu.memref_squeeze %dma_wait3A_276 : memref<1x64x112xf32, #tpu.memory_space<hbm>> -> memref<64x112xf32, #tpu.memory_space<hbm>>
      %dma_wait3A_278 = arith.constant 0 : i32
      %dma_wait3A_279 = tpu.memref_slice %arg18[%add3A_259, %dma_wait3A_278] : memref<10240x112xf32, #tpu.memory_space<vmem_shared>> -> memref<64x112xf32, #tpu.memory_space<vmem_shared>>
      tpu.wait_dma2 semaphore(%run_scoped3A : memref<!tpu.dma_semaphore, #tpu.memory_space<semaphore_mem>>) src(%dma_wait3A_279 : memref<64x112xf32, #tpu.memory_space<vmem_shared>>) dst(%dma_wait3A_277 : memref<64x112xf32, #tpu.memory_space<hbm>>)
      tpu.yield
    }) : () -> ()
    %add3A_262 = arith.constant 512 : i32
    %add3A_263 = arith.addi %mul3A_6, %add3A_262 : i32
    %add3A_264 = arith.constant 512 : i32
    %add3A_265 = arith.addi %mul3A_6, %add3A_264 : i32
    "tpu.region"() ({
      %run_scoped3A = tpu.sem_alloc : memref<!tpu.dma_semaphore, #tpu.memory_space<semaphore_mem>>
      %dma_start3A_270 = arith.constant 0 : i32
      %dma_start3A_271 = tpu.memref_slice %arg8[%arg0, %add3A_265, %dma_start3A_270] : memref<2x10240x112xf32, #tpu.memory_space<hbm>> -> memref<1x64x112xf32, #tpu.memory_space<hbm>>
      %dma_start3A_272 = tpu.memref_squeeze %dma_start3A_271 : memref<1x64x112xf32, #tpu.memory_space<hbm>> -> memref<64x112xf32, #tpu.memory_space<hbm>>
      %dma_start3A_273 = arith.constant 0 : i32
      %dma_start3A_274 = tpu.memref_slice %arg18[%add3A_263, %dma_start3A_273] : memref<10240x112xf32, #tpu.memory_space<vmem_shared>> -> memref<64x112xf32, #tpu.memory_space<vmem_shared>>
      tpu.enqueue_dma source(%dma_start3A_274 : memref<64x112xf32, #tpu.memory_space<vmem_shared>>) target(%dma_start3A_272 : memref<64x112xf32, #tpu.memory_space<hbm>>) target_semaphore(%run_scoped3A : memref<!tpu.dma_semaphore, #tpu.memory_space<semaphore_mem>>)
      %dma_wait3A_275 = arith.constant 0 : i32
      %dma_wait3A_276 = tpu.memref_slice %arg8[%arg0, %add3A_265, %dma_wait3A_275] : memref<2x10240x112xf32, #tpu.memory_space<hbm>> -> memref<1x64x112xf32, #tpu.memory_space<hbm>>
      %dma_wait3A_277 = tpu.memref_squeeze %dma_wait3A_276 : memref<1x64x112xf32, #tpu.memory_space<hbm>> -> memref<64x112xf32, #tpu.memory_space<hbm>>
      %dma_wait3A_278 = arith.constant 0 : i32
      %dma_wait3A_279 = tpu.memref_slice %arg18[%add3A_263, %dma_wait3A_278] : memref<10240x112xf32, #tpu.memory_space<vmem_shared>> -> memref<64x112xf32, #tpu.memory_space<vmem_shared>>
      tpu.wait_dma2 semaphore(%run_scoped3A : memref<!tpu.dma_semaphore, #tpu.memory_space<semaphore_mem>>) src(%dma_wait3A_279 : memref<64x112xf32, #tpu.memory_space<vmem_shared>>) dst(%dma_wait3A_277 : memref<64x112xf32, #tpu.memory_space<hbm>>)
      tpu.yield
    }) : () -> ()
    %add3A_266 = arith.constant 576 : i32
    %add3A_267 = arith.addi %mul3A_6, %add3A_266 : i32
    %add3A_268 = arith.constant 576 : i32
    %add3A_269 = arith.addi %mul3A_6, %add3A_268 : i32
    "tpu.region"() ({
      %run_scoped3A = tpu.sem_alloc : memref<!tpu.dma_semaphore, #tpu.memory_space<semaphore_mem>>
      %dma_start3A_270 = arith.constant 0 : i32
      %dma_start3A_271 = tpu.memref_slice %arg8[%arg0, %add3A_269, %dma_start3A_270] : memref<2x10240x112xf32, #tpu.memory_space<hbm>> -> memref<1x64x112xf32, #tpu.memory_space<hbm>>
      %dma_start3A_272 = tpu.memref_squeeze %dma_start3A_271 : memref<1x64x112xf32, #tpu.memory_space<hbm>> -> memref<64x112xf32, #tpu.memory_space<hbm>>
      %dma_start3A_273 = arith.constant 0 : i32
      %dma_start3A_274 = tpu.memref_slice %arg18[%add3A_267, %dma_start3A_273] : memref<10240x112xf32, #tpu.memory_space<vmem_shared>> -> memref<64x112xf32, #tpu.memory_space<vmem_shared>>
      tpu.enqueue_dma source(%dma_start3A_274 : memref<64x112xf32, #tpu.memory_space<vmem_shared>>) target(%dma_start3A_272 : memref<64x112xf32, #tpu.memory_space<hbm>>) target_semaphore(%run_scoped3A : memref<!tpu.dma_semaphore, #tpu.memory_space<semaphore_mem>>)
      %dma_wait3A_275 = arith.constant 0 : i32
      %dma_wait3A_276 = tpu.memref_slice %arg8[%arg0, %add3A_269, %dma_wait3A_275] : memref<2x10240x112xf32, #tpu.memory_space<hbm>> -> memref<1x64x112xf32, #tpu.memory_space<hbm>>
      %dma_wait3A_277 = tpu.memref_squeeze %dma_wait3A_276 : memref<1x64x112xf32, #tpu.memory_space<hbm>> -> memref<64x112xf32, #tpu.memory_space<hbm>>
      %dma_wait3A_278 = arith.constant 0 : i32
      %dma_wait3A_279 = tpu.memref_slice %arg18[%add3A_267, %dma_wait3A_278] : memref<10240x112xf32, #tpu.memory_space<vmem_shared>> -> memref<64x112xf32, #tpu.memory_space<vmem_shared>>
      tpu.wait_dma2 semaphore(%run_scoped3A : memref<!tpu.dma_semaphore, #tpu.memory_space<semaphore_mem>>) src(%dma_wait3A_279 : memref<64x112xf32, #tpu.memory_space<vmem_shared>>) dst(%dma_wait3A_277 : memref<64x112xf32, #tpu.memory_space<hbm>>)
      tpu.yield
    }) : () -> ()
    return
  }
}

</mosaic_0001>

<sc_bundles>
// kernel: _sc_edge.3.cloned.1.call-start
scs
__scs_entry_jumppad:
0x0: {  	(pc) =	sbr.rel $0x88, $3  }
0x1: {  	(tag) =	ssettag $0x0;
	lr =	simm.s32 $0x1  }
0x2: {  	[smem:$0x3F9B] =	sst lr;
	_ =	strace $0xD0000000  }
0x3: {  	_ = 	snop  }
0x4: {  	_ = 	snop  }
0x5: {  	_ = 	snop  }
0x6: {  	_ = 	snop  }
0x7: {  	_ = 	snop  }
__scs_overlays_trampoline_lowered:
0x8: {  	[smem:$0x3FAA] =	sst s0  }
0x9: {  	[smem:$0x3FAB] =	sst s1  }
0xa: {  	[smem:$0x3FAC] =	sst s2  }
0xb: {  	[smem:$0x3FAD] =	sst s3  }
0xc: {  	[smem:$0x3FAE] =	sst s4  }
0xd: {  	[smem:$0x3FAF] =	sst s5  }
0xe: {  	[smem:$0x3FB0] =	sst s6  }
0xf: {  	[smem:$0x3FB1] =	sst s7  }
0x10: {  	[smem:$0x3FB2] =	sst s8  }
0x11: {  	[smem:$0x3FB3] =	sst s9;
	s0 =	simm.s32 @!p0 $0x0  }
0x12: {  	s1 =	sld [smem:$0x3F99];
	s0 =	simm.s32 @p0 $0x1  }
0x13: {  	[smem:$0x3FB4] =	sst s0;
	s0 =	simm.s32 @!p1 $0x0  }
0x14: {  	s2 =	sld [smem:$0x3F98];
	s0 =	simm.s32 @p1 $0x1  }
0x15: {  	[smem:$0x3FB5] =	sst s0;
	s0 =	simm.s32 @!p2 $0x0  }
0x16: {  	s3 =	sld [smem:$0x3FDB];
	s0 =	simm.s32 @p2 $0x1  }
0x17: {  	s4 =	simm.s32 $0x1BF5;
	[smem:$0x3FB7] =	sst s0  }
0x18: {  	s0 =	sld [smem:$0x3F9A];
	_ =	swait.ge [sflag:s4], $0x0  }
0x19: {  	s7 =	sld [smem:$0x3F9B]  }
0x1a: {  	s8 =	sadd.s32 $0xFFFFE003, lr  }
0x1b: {  	s9 =	sadd.s32 $0xFFFFFEF7, lr;
	s5 =	simm.s32 $0xFFFFFFFF;
	p2 =	slt.u32 s8, $0xFFFFF086  }
0x1c: {  	p1 =	slt.u32 s9, $0xF7A;
	s5 =	simm.s32 @!p2 $0x0  }
0x1d: {  	s5 =	simm.s32 @p1 $0x1;
	p0 =	seq.s32 s7, s2  }
0x1e: {  	s7 =	smul.u32 @!p0 $0xF7A, s2;
	p2 =	seq.s32 @!p0 s5, $0x0  }
0x1f: {  	s9 =	smul.u32 $0xF7A, s1;
	s8 =	simm.s32 @!p0 $0x1BF5;
	p2 =	por !p2, p0  }
0x20: {  	[sflag:s8] =	ssyncset.s32 @!p0 $0xFFFFF086;
	s6 =	sadd.s32 @!p0 s3, s7;
	s7 =	simm.s32 @!p0 $0x108  }
0x21: {  	s3 =	sadd.s32 s3, s9;
	s6 =	sadd.s32 @!p0 $0x88, s6;
	s7 =	simm.s32 @p2 $0x1082  }
0x22: {  	[simem:s7], [sflag:s8] =	dma.local @!p0 [hbm:s6], $0xF7A  }
0x23: {  	s9 =	sor.u32 $0xD0000000, s2;
	s6 =	simm.s32 $0x108;
	_ =	swait.ge @!p0 [sflag:s8], $0x0  }
0x24: {  	s3 =	sadd.s32 $0x88, s3;
	s6 =	simm.s32 @!p1 $0x1082;
	[sflag:s4] =	ssyncset.s32 $0xFFFFF086  }
0x25: {  	[simem:s6], [sflag:s4] =	dma.local [hbm:s3], $0xF7A  }
0x26: {  	[smem:$0x3F9B] =	sst s1;
	(tag) =	ssettag s2;
	_ =	strace s9  }
0x27: {  	s1 =	sld [smem:$0x3FAB]  }
0x28: {  	s2 =	sld [smem:$0x3FAC]  }
0x29: {  	s4 =	sld [smem:$0x3FAE]  }
0x2a: {  	p0 =	seq.s32 s5, $0x0;
	s5 =	sld [smem:$0x3FAF]  }
0x2b: {  	s6 =	sld [smem:$0x3FB0]  }
0x2c: {  	s7 =	sld [smem:$0x3FB1]  }
0x2d: {  	s3 =	simm.s32 $0x108;
	s8 =	sld [smem:$0x3FB2]  }
0x2e: {  	s3 =	simm.s32 @!p0 $0x1082;
	s9 =	sld [smem:$0x3FB3]  }
0x2f: {  	lr =	sadd.s32 s0, s3;
	s0 =	sld [smem:$0x3FAA]  }
0x30: {  	s3 =	sld [smem:$0x3FAD]  }
0x31: {  	[smem:$0x3FB6] =	sst s10  }
0x32: {  	s10 =	sld [smem:$0x3FB4];
	_ =	sdelay $0x3  }
0x33: {  	p0 =	seq.s32 s10, $0x1;
	s10 =	sld [smem:$0x3FB6];
	_ =	sdelay $0x3  }
0x34: {  	[smem:$0x3FB6] =	sst s10  }
0x35: {  	s10 =	sld [smem:$0x3FB5];
	_ =	sdelay $0x3  }
0x36: {  	p1 =	seq.s32 s10, $0x1;
	s10 =	sld [smem:$0x3FB6];
	_ =	sdelay $0x3  }
0x37: {  	[smem:$0x3FB6] =	sst s10  }
0x38: {  	s10 =	sld [smem:$0x3FB7]  }
0x39: {  	_ = 	snop;
	(pc) =	sbr.ind lr, $3  }
0x3a: {  	_ = 	snop  }
0x3b: {  	_ = 	snop  }
0x3c: {  	p2 =	seq.s32 s10, $0x1;
	s10 =	sld [smem:$0x3FB6]  }
0x3d: {  	_ =	shalt  }
0x3e: {  	_ =	shalt  }
0x3f: {  	_ =	shalt  }
0x40: {  	_ =	shalt  }
0x41: {  	_ =	shalt  }
0x42: {  	_ =	shalt  }
0x43: {  	_ =	shalt  }
0x44: {  	_ =	shalt  }
0x45: {  	_ =	shalt  }
0x46: {  	_ =	shalt  }
0x47: {  	_ =	shalt  }
0x48: {  	_ =	shalt  }
0x49: {  	_ =	shalt  }
0x4a: {  	_ =	shalt  }
0x4b: {  	_ =	shalt  }
0x4c: {  	_ =	shalt  }
0x4d: {  	_ =	shalt  }
0x4e: {  	_ =	shalt  }
0x4f: {  	_ =	shalt  }
0x50: {  	_ =	shalt  }
0x51: {  	_ =	shalt  }
0x52: {  	_ =	shalt  }
0x53: {  	_ =	shalt  }
0x54: {  	_ =	shalt  }
0x55: {  	_ =	shalt  }
0x56: {  	_ =	shalt  }
0x57: {  	_ =	shalt  }
0x58: {  	_ =	shalt  }
0x59: {  	_ =	shalt  }
0x5a: {  	_ =	shalt  }
0x5b: {  	_ =	shalt  }
0x5c: {  	_ =	shalt  }
0x5d: {  	_ =	shalt  }
0x5e: {  	_ =	shalt  }
0x5f: {  	_ =	shalt  }
0x60: {  	_ =	shalt  }
0x61: {  	_ =	shalt  }
0x62: {  	_ =	shalt  }
0x63: {  	_ =	shalt  }
0x64: {  	_ =	shalt  }
0x65: {  	_ =	shalt  }
0x66: {  	_ =	shalt  }
0x67: {  	_ =	shalt  }
0x68: {  	_ =	shalt  }
0x69: {  	_ =	shalt  }
0x6a: {  	_ =	shalt  }
0x6b: {  	_ =	shalt  }
0x6c: {  	_ =	shalt  }
0x6d: {  	_ =	shalt  }
0x6e: {  	_ =	shalt  }
0x6f: {  	_ =	shalt  }
0x70: {  	_ =	shalt  }
0x71: {  	_ =	shalt  }
0x72: {  	_ =	shalt  }
0x73: {  	_ =	shalt  }
0x74: {  	_ =	shalt  }
0x75: {  	_ =	shalt  }
0x76: {  	_ =	shalt  }
0x77: {  	_ =	shalt  }
0x78: {  	_ =	shalt  }
0x79: {  	_ =	shalt  }
0x7a: {  	_ =	shalt  }
0x7b: {  	_ =	shalt  }
0x7c: {  	_ =	shalt  }
0x7d: {  	_ =	shalt  }
0x7e: {  	_ =	shalt  }
0x7f: {  	_ =	shalt  }
0x80: {  	_ =	shalt  }
0x81: {  	_ =	shalt  }
0x82: {  	_ =	shalt  }
0x83: {  	_ =	shalt  }
0x84: {  	_ =	shalt  }
0x85: {  	_ =	shalt  }
0x86: {  	_ =	shalt  }
0x87: {  	_ =	shalt  }
.Lfunc_end0:
.L_simem_size_0:
called_computation_lowered:
.L_overlay_start_0:
0x88: {  	s2 =	sld [smem:$0x3FD9]  }
0x89: {  	s3 =	sld [smem:$0x3FFE];
	_ =	sdelay $0x1  }
0x8a: {  	s1 =	srdreg.scid  }
0x8b: {  	s0 =	sand.u32 $0x1, s1  }
0x8c: {  	s17 =	sshll.u32 s0, $0xA;
	s2 =	sadd.s32 s3, s2  }
0x8d: {  	s2 =	sadd.s32 s2, s17  }
0x8e: {  	[smem:$0x3FC2] =	sst s2  }
0x8f: {  	_ = 	snop  }
0x90: {  	s2 =	sld [smem:$0x3FC8]  }
0x91: {  	s18 =	sld [smem:$0x3FC7]  }
0x92: {  	s4 =	sld [smem:$0x3FC6]  }
0x93: {  	s5 =	sld [smem:$0x3FD0];
	(tm) =	ssettm $0x1  }
0x94: {  	s6 =	sld [smem:$0x3FFB];
	_ =	sdelay $0x3  }
0x95: {  	_ =	strace s6  }
0x96: {  	s6 =	sld [smem:$0x3FFC];
	_ =	sdelay $0x3  }
0x97: {  	_ =	strace s6  }
0x98: {  	s6 =	sld [smem:$0x3FFD];
	_ =	sdelay $0x3  }
0x99: {  	_ =	strace s6  }
0x9a: {  	_ =	strace $0x8FFFFFFF  }
0x9b: {  	s19 =	sld [smem:$0x3FDB];
	_ =	sdelay $0x1  }
0x9c: {  	s7 =	simm.s32 $_scs_section_size  }
0x9d: {  	s8 =	simm.s32 $_size__tile_overlayer_lowered;
	s9 =	simm.s32 $_tile_overlayer_lowered  }
0x9e: {  	s22 =	simm.s32 $0x1BFF;
	s21 =	sshll.u32 s9, $0x1;
	s6 =	sadd.s32 s7, s19  }
0x9f: {  	s10 =	simm.s32 $0x0;
	s20 =	sshll.u32 s8, $0x1;
	s8 =	sadd.s32 s21, s6  }
0xa0: {  	[timem:s10], [sflag:s22] =	dma.local [hbm:s8], s20  }
0xa1: {  	_ =	swait.ge [sflag:s22], s20  }
0xa2: {  	s7 =	ssub.s32 $0x0, s20;
	[sflag:s22] =	ssyncset.done $0x0  }
0xa3: {  	[sflag:s22] =	ssyncadd.s32 s7;
	_ =	sdelay $0x1  }
0xa4: {  	s23 =	simm.s32 $0x1B8B  }
0xa5: {  	_ =	swait.ge [sflag:s23], $0x1  }
0xa6: {  	[sflag:s23] =	ssyncset.done $0x0  }
0xa7: {  	s25 =	simm.s32 $0x1B8E;
	s24 =	sld [smem:$0x3FFE];
	[sflag:s23] =	ssyncadd.s32 $0xFFFFFFFF  }
0xa8: {  	s26 =	simm.s32 $execute0_lowered;
	[smem:$0x3FD2] =	sst s25  }
0xa9: {  	s8 =	sshll.u32 s26, $0x1;
	_ =	strace $0x80000046;
	[dreg:$0x1] =	wrdreg $0xFFFFFFFF  }
0xaa: {  	s28 =	simm.s32 $_size_execute0_lowered;
	s6 =	sadd.s32 s6, s8;
	[dreg:$0x0] =	wrdreg $0x0  }
0xab: {  	s8 =	sshll.u32 s28, $0x1;
	[dreg:$0x2] =	wrdreg s6  }
0xac: {  	[dreg:$0x3] =	wrdreg s8  }
0xad: {  	[dreg:$0x4] =	wrdreg $0xC0  }
0xae: {  	_ =	task [dreg:s10], $0x5FFFF  }
0xaf: {  	[dreg:$0x1] =	wrdreg $0xFFFFFFFF  }
0xb0: {  	[dreg:$0x0] =	wrdreg $0x60  }
0xb1: {  	[dreg:$0x2] =	wrdreg s24  }
0xb2: {  	[dreg:$0x3] =	wrdreg s2  }
0xb3: {  	[dreg:$0x4] =	wrdreg s18  }
0xb4: {  	[dreg:$0x5] =	wrdreg s4  }
0xb5: {  	[dreg:$0x6] =	wrdreg s5  }
0xb6: {  	[dreg:$0x7] =	wrdreg $0xD7300  }
0xb7: {  	[dreg:$0x8] =	wrdreg $0x9  }
0xb8: {  	_ =	task.clear_ibuf [dreg:s10], $0x9FFFF;
	_ =	strace $0x90000046  }
0xb9: {  	s29 =	simm.s32 $0x9;
	_ =	strace $0x80000048  }
0xba: {  	_ =	swait.ge [sflag:s29], $0x1  }
0xbb: {  	[sflag:s29] =	ssyncadd.s32 $0xFFFFFFFF  }
0xbc: {  	_ =	strace $0x90000048  }
0xbd: {  	_ =	sfence  }
0xbe: {  	s30 =	sld [smem:$0x0];
	_ =	sdelay $0x2  }
0xbf: {  	s31 =	sshll.u32 s1, $0xD;
	s1 =	sshrl.u32 s1, $0x2  }
0xc0: {  	s3 =	sand.u32 $0x4000, s31;
	s1 =	sadd.s32 s1, s30  }
0xc1: {  	s0 =	sor.u32 s3, s0;
	s1 =	sshll.u32 s1, $0x11  }
0xc2: {  	s0 =	sor.u32 s1, s0  }
0xc3: {  	s0 =	sadd.s32 $0x8F2B, s0  }
0xc4: {  	[sflag:s0] =	ssyncadd.remote.s32 $0x1  }
0xc5: {  	_ =	sfence.sel $0xFFFF  }
0xc6: {  	[dreg:$0x0] =	wrdreg $0xFFFFFFFF;
	(pc) =	sbr.abs _section_cstart, $3  }
0xc7: {  	[dreg:$0x1] =	wrdreg $0xFFFFFFFF  }
0xc8: {  	_ =	task.clear_ibuf [dreg:s10], $0x2FFFF;
	_ =	strace $0x9FFFFFFF  }
0xc9: {  	(tm) =	ssettm $0x7FFFFFFF  }
tec
execute0_lowered:
.L_overlay_start_1:
0x0: {  	(tag) =	ssettag $0x1  }
0x1: {  	s8 =	stileid.u32  }
0x2: {  	s0 =	srdreg.scid;
	s5 =	smul.u32 $0x508, s8  }
0x3: {  	s2 =	sand.u32 $0x1, s0;
	s8 =	smul.u32 $0x11800, s8  }
0x4: {  	s1 =	rddreg [dreg:$0x0];
	s0 =	smul.u32 $0x222E0, s2  }
0x5: {  	s4 =	rddreg [dreg:$0x4];
	s3 =	simm.s32 $0x0;
	s9 =	smul.u32 $0x118000, s2  }
0x6: {  	[smem:$0x7FF] =	sst s3;
	s6 =	ssub.s32 $0x2, s2;
	s2 =	smul.u32 $0x70, s2  }
0x7: {  	s7 =	sshrl.u32 s6, $0x1;
	s5 =	sadd.s32 s5, s1;
	s10 =	sadd.s32 $0x5400, s8  }
0x8: {  	s11 =	sadd.s32 $0x7000, s8;
	s12 =	sadd.s32 $0x8C00, s8;
	s13 =	sadd.s32 $0xA800, s8  }
0x9: {  	s16 =	sadd.s32 $0xC400, s8;
	s25 =	sadd.s32 $0xE000, s8;
	s0 =	sadd.s32 s0, s1  }
0xa: {  	s1 =	ssub.s32 s6, s7;
	s6 =	sadd.s32 $0x1C00, s8;
	s7 =	sadd.s32 $0x3800, s8  }
0xb: {  	s14 =	sadd.s32 s8, s9;
	s29 =	sadd.s32 s9, s10;
	s17 =	sadd.s32 s9, s11  }
0xc: {  	s19 =	sadd.s32 s9, s12;
	s20 =	sadd.s32 s9, s13;
	s21 =	sadd.s32 s9, s16  }
0xd: {  	s15 =	sadd.s32 s9, s6;
	s14 =	sshrl.u32 s14, $0x3;
	s28 =	sadd.s32 s9, s7  }
0xe: {  	s17 =	sshrl.u32 s17, $0x3;
	s22 =	sshrl.u32 s20, $0x3;
	s23 =	sshrl.u32 s21, $0x3  }
0xf: {  	s30 =	sadd.s32 $0x800, s0;
	s0 =	simm.s32 $0x2710;
	s14 =	sadd.s32 s4, s14  }
0x10: {  	s15 =	sshrl.u32 s15, $0x3;
	s18 =	sadd.s32 s4, s17;
	[dreg:$0x7] =	wrdreg s14  }
0x11: {  	s24 =	sadd.s32 s4, s23;
	s26 =	sadd.s32 s4, s15;
	[dreg:$0xb] =	wrdreg s18  }
0x12: {  	s14 =	sshrl.u32 s28, $0x3;
	s15 =	sshrl.u32 s29, $0x3;
	[dreg:$0xe] =	wrdreg s24  }
0x13: {  	s28 =	sadd.s32 s9, s25;
	[dreg:$0x8] =	wrdreg s26;
	s14 =	sadd.s32 s4, s14  }
0x14: {  	s18 =	sshrl.u32 s28, $0x3;
	[dreg:$0x9] =	wrdreg s14;
	s14 =	sadd.s32 s4, s15  }
0x15: {  	s18 =	sadd.s32 s4, s18;
	[dreg:$0xa] =	wrdreg s14;
	s14 =	sshrl.u32 s19, $0x3  }
0x16: {  	s26 =	sadd.s32 $0xFC00, s8;
	[dreg:$0xf] =	wrdreg s18;
	s14 =	sadd.s32 s4, s14  }
0x17: {  	s9 =	sadd.s32 s9, s26;
	[dreg:$0xc] =	wrdreg s14;
	s14 =	sadd.s32 s4, s22  }
0x18: {  	s23 =	sadd.s32 $0x10, s2;
	s9 =	sshrl.u32 s9, $0x3;
	[dreg:$0xd] =	wrdreg s14  }
0x19: {  	v0 =	vimm.s32 $0xC3C2C1C0;
	s29 =	sadd.s32 $0x4A000, s5;
	s4 =	sadd.s32 s4, s9;
	s14 =	rddreg [dreg:$0x5]  }
0x1a: {  	v1 =	vimm.s32 $0xC7C6C5C4;
	v2 =	vimm.s32 $0xCBCAC9C8;
	s24 =	sadd.s32 $0x20, s2;
	s28 =	sadd.s32 $0x50, s2;
	[dreg:$0x10] =	wrdreg s4  }
0x1b: {  	v3 =	vimm.s32 $0xCFCECDCC;
	v0 =	vunpack.c.0.s8.s32 v0;
	s9 =	sadd.s32 $0x44E00, s5;
	_ =	strace $0x80000047;
	[dreg:$0x11] =	wrdreg s29  }
0x1c: {  	v1 =	vunpack.c.0.s8.s32 v1;
	v2 =	vunpack.c.0.s8.s32 v2;
	v3 =	vunpack.c.0.s8.s32 v3;
	s5 =	simm.s32 $0x1;
	s4 =	simm.s32 $0xBB30;
	[dreg:$0x12] =	wrdreg s9  }
0x1d: {  	vm0 =	vcmask $0x1F10;
	s18 =	sadd.s32 s8, s14;
	s19 =	sadd.s32 s6, s14;
	s20 =	sadd.s32 s7, s14  }
0x1e: {  	v0 =	vsel vm0, v1, v0;
	v1 =	vsel vm0, v3, v2;
	s21 =	sadd.s32 s10, s14;
	s22 =	sadd.s32 s11, s14;
	s31 =	sadd.s32 s12, s14  }
0x1f: {  	v1 =	vcombine.low v1, v0;
	s13 =	sadd.s32 s13, s14;
	s16 =	sadd.s32 s16, s14;
	s15 =	sadd.s32 s25, s14  }
0x20: {  	s17 =	sadd.s32 s26, s14;
	s25 =	sadd.s32 $0x30, s2;
	s26 =	sadd.s32 $0x40, s2  }
0x21: {  	v0 =	vimm.f32 $0.0e+00;
	v1 =	vand.u32 $0xFF, v1;
	s2 =	sadd.s32 $0x60, s2;
	s29 =	smax.u32 s1, $0x1;
	[dreg:$0x13] =	wrdreg s13  }
0x22: {  	v2 =	vmov s23;
	v3 =	vmov s24;
	v6 =	vmov s28;
	s12 =	simm.s32 $0x4E30;
	s1 =	simm.s32 $0x40;
	[dreg:$0x17] =	wrdreg s29  }
0x23: {  	vm5 =	veq.s32 v2, v1;
	vm4 =	veq.s32 v3, v1;
	vm1 =	veq.s32 v6, v1;
	s6 =	simm.s32 $0x9EB0;
	s7 =	simm.s32 $0x2;
	[dreg:$0x14] =	wrdreg s16  }
0x24: {  	s8 =	simm.s32 $0x9EF0;
	s9 =	simm.s32 $0x0;
	v4 =	vmov s25;
	v5 =	vmov s26;
	v7 =	vmov s2;
	[dreg:$0x15] =	wrdreg s15  }
0x25: {  	s13 =	simm.s32 $0x3;
	s2 =	simm.s32 $0x9F30;
	[dreg:$0x16] =	wrdreg s17;
	vm0 =	veq.s32 v7, v1;
	vm2 =	veq.s32 v5, v1;
	vm3 =	veq.s32 v4, v1  }
.LBB2_1:
0x26: {  	s10 =	rddreg [dreg:$0x1]  }
0x27: {  	[tilespmem:s3], [sflag:$0x3] =	stream.linear.gather [hbm4b:s10+s3], $0x2710, $0x38;
	[tilespmem:$0x1EF30] =	vst v63  }
0x28: {  	_ =	swait.ge [sflag:s13], $0x2710  }
0x29: {  	[sflag:s13] =	ssyncset.done $0x0  }
0x2a: {  	[sflag:s13] =	ssyncadd.s32 $0xFFFFD8F0  }
0x2b: {  	s24 =	rddreg [dreg:$0x2]  }
0x2c: {  	[tilespmem:s0], [sflag:$0x3] =	stream.linear.gather [hbm4b:s24+s3], $0x2710, $0x38;
	[tilespmem:$0x1EF30] =	vst v63  }
0x2d: {  	_ =	swait.ge [sflag:s13], $0x2710  }
0x2e: {  	[sflag:s13] =	ssyncset.done $0x0  }
0x2f: {  	[sflag:s13] =	ssyncadd.s32 $0xFFFFD8F0  }
0x30: {  	s11 =	simm.s32 $0x4E20;
	s25 =	rddreg [dreg:$0x3]  }
0x31: {  	[tilespmem:s11], [sflag:$0x3] =	stream.linear.gather [hbm4b:s25+s3], $0x10, $0x38;
	[tilespmem:$0x1EF30] =	vst v63  }
0x32: {  	_ =	swait.ge [sflag:s13], $0x10  }
0x33: {  	[sflag:s13] =	ssyncset.done $0x0  }
0x34: {  	s26 =	rddreg [dreg:$0x11];
	[sflag:s13] =	ssyncadd.s32 $0xFFFFFFF0  }
0x35: {  	[tilespmem:s12], [sflag:$0x3] =	stream.linear.gather [hbm4b:s26+s3], $0x2840, $0x38;
	[tilespmem:$0x1EF30] =	vst v63  }
0x36: {  	_ =	swait.ge [sflag:s13], $0x2840  }
0x37: {  	[sflag:s13] =	ssyncset.done $0x0  }
0x38: {  	s29 =	simm.s32 $0x7670;
	s28 =	rddreg [dreg:$0x12];
	[sflag:s13] =	ssyncadd.s32 $0xFFFFD7C0  }
0x39: {  	[tilespmem:s29], [sflag:$0x3] =	stream.linear.gather [hbm4b:s28+s3], $0x2840, $0x38;
	[tilespmem:$0x1EF30] =	vst v63  }
0x3a: {  	_ =	swait.ge [sflag:s13], $0x2840  }
0x3b: {  	[sflag:s13] =	ssyncset.done $0x0  }
0x3c: {  	s10 =	simm.s32 $0x0;
	s11 =	simm.s32 $0x1C0;
	[sflag:s13] =	ssyncadd.s32 $0xFFFFD7C0  }
.LBB2_2:
0x3d: {  	p0 =	sne.s32 s11, $0x6E40;
	[tilespmem:s10+$0x9F90] =	vst v0  }
0x3e: {  	[tilespmem:s10+$0x9F30] =	vst v0  }
.Ltmp0:
0x3f: {  	[tilespmem:s10+$0x9F40] =	vst v0;
	(pc) =	sbr.rel @p0 .LBB2_2-.Ltmp0, $4  }
0x40: {  	[tilespmem:s10+$0x9F50] =	vst v0  }
0x41: {  	[tilespmem:s10+$0x9F60] =	vst v0  }
0x42: {  	[tilespmem:s10+$0x9F70] =	vst v0  }
0x43: {  	[tilespmem:s10+$0x9F80] =	vst v0;
	s10 =	sshra.s32 s11, $0x2;
	s11 =	sadd.s32 $0x1C0, s11  }
0x44: {  	[tilespmem:s10+$0x9F90] =	vst v0  }
0x45: {  	[tilespmem:s10+$0x9F30] =	vst v0  }
0x46: {  	[tilespmem:s10+$0x9F40] =	vst v0  }
0x47: {  	[tilespmem:s10+$0x9F50] =	vst v0  }
0x48: {  	[tilespmem:s10+$0x9F60] =	vst v0  }
0x49: {  	[tilespmem:s10+$0x9F70] =	vst v0  }
0x4a: {  	[tilespmem:s10+$0x9F80] =	vst v0  }
0x4b: {  	[spmem:s18] =	stream.linear.scatter [tilespmem:s2], [sflag:$0x3], $0x1C00, $0x38;
	[tilespmem:$0x1EF30] =	vst v63  }
0x4c: {  	_ =	swait.ge [sflag:s13], $0x1C00  }
0x4d: {  	[sflag:s13] =	ssyncset.done $0x0  }
0x4e: {  	[sflag:s13] =	ssyncadd.s32 $0xFFFFE400  }
0x4f: {  	[spmem:s19] =	stream.linear.scatter [tilespmem:s2], [sflag:$0x3], $0x1C00, $0x38;
	[tilespmem:$0x1EF30] =	vst v63  }
0x50: {  	_ =	swait.ge [sflag:s13], $0x1C00  }
0x51: {  	[sflag:s13] =	ssyncset.done $0x0  }
0x52: {  	[sflag:s13] =	ssyncadd.s32 $0xFFFFE400  }
0x53: {  	[spmem:s20] =	stream.linear.scatter [tilespmem:s2], [sflag:$0x3], $0x1C00, $0x38;
	[tilespmem:$0x1EF30] =	vst v63  }
0x54: {  	_ =	swait.ge [sflag:s13], $0x1C00  }
0x55: {  	[sflag:s13] =	ssyncset.done $0x0  }
0x56: {  	[sflag:s13] =	ssyncadd.s32 $0xFFFFE400  }
0x57: {  	[spmem:s21] =	stream.linear.scatter [tilespmem:s2], [sflag:$0x3], $0x1C00, $0x38;
	[tilespmem:$0x1EF30] =	vst v63  }
0x58: {  	_ =	swait.ge [sflag:s13], $0x1C00  }
0x59: {  	[sflag:s13] =	ssyncset.done $0x0  }
0x5a: {  	[sflag:s13] =	ssyncadd.s32 $0xFFFFE400  }
0x5b: {  	[spmem:s22] =	stream.linear.scatter [tilespmem:s2], [sflag:$0x3], $0x1C00, $0x38;
	[tilespmem:$0x1EF30] =	vst v63  }
0x5c: {  	_ =	swait.ge [sflag:s13], $0x1C00  }
0x5d: {  	[sflag:s13] =	ssyncset.done $0x0  }
0x5e: {  	[sflag:s13] =	ssyncadd.s32 $0xFFFFE400  }
0x5f: {  	[spmem:s31] =	stream.linear.scatter [tilespmem:s2], [sflag:$0x3], $0x1C00, $0x38;
	[tilespmem:$0x1EF30] =	vst v63  }
0x60: {  	_ =	swait.ge [sflag:s13], $0x1C00  }
0x61: {  	[sflag:s13] =	ssyncset.done $0x0  }
0x62: {  	s29 =	smov.u32 s31;
	s31 =	rddreg [dreg:$0x13];
	[sflag:s13] =	ssyncadd.s32 $0xFFFFE400  }
0x63: {  	[spmem:s31] =	stream.linear.scatter [tilespmem:s2], [sflag:$0x3], $0x1C00, $0x38;
	[tilespmem:$0x1EF30] =	vst v63  }
0x64: {  	_ =	swait.ge [sflag:s13], $0x1C00  }
0x65: {  	[sflag:s13] =	ssyncset.done $0x0  }
0x66: {  	[sflag:s13] =	ssyncadd.s32 $0xFFFFE400  }
0x67: {  	[spmem:s16] =	stream.linear.scatter [tilespmem:s2], [sflag:$0x3], $0x1C00, $0x38;
	[tilespmem:$0x1EF30] =	vst v63  }
0x68: {  	_ =	swait.ge [sflag:s13], $0x1C00  }
0x69: {  	[sflag:s13] =	ssyncset.done $0x0  }
0x6a: {  	[sflag:s13] =	ssyncadd.s32 $0xFFFFE400  }
0x6b: {  	[spmem:s15] =	stream.linear.scatter [tilespmem:s2], [sflag:$0x3], $0x1C00, $0x38;
	[tilespmem:$0x1EF30] =	vst v63  }
0x6c: {  	_ =	swait.ge [sflag:s13], $0x1C00  }
0x6d: {  	[sflag:s13] =	ssyncset.done $0x0  }
0x6e: {  	[sflag:s13] =	ssyncadd.s32 $0xFFFFE400  }
0x6f: {  	[spmem:s17] =	stream.linear.scatter [tilespmem:s2], [sflag:$0x3], $0x1C00, $0x38;
	[tilespmem:$0x1EF30] =	vst v63  }
0x70: {  	_ =	swait.ge [sflag:s13], $0x1C00  }
0x71: {  	[sflag:s13] =	ssyncset.done $0x0  }
0x72: {  	[sflag:s13] =	ssyncadd.s32 $0xFFFFE400  }
0x73: {  	[bflag:$0x0] =	sbarrier.arrive $0xFFFF  }
0x74: {  	v1 =	vld [tilespmem:$0x4E30]  }
0x75: {  	v2 =	vld [tilespmem:$0x7670];
	_ =	sdelay $0x5  }
0x76: {  	s10 =	simm.s32 $0x0  }
0x77: {  	v3 =	vld.idx.msk [tilespmem:v1+s10+$0x0], $0xffff  }
0x78: {  	v2 =	vld.idx.msk [tilespmem:v2+s0+$0x0], $0xffff;
	_ =	sdelay $0x4  }
0x79: {  	v1 =	vld [tilespmem:$0x4E20];
	v2 =	vadd.f32 v2, v3;
	_ =	sdelay $0x1  }
0x7a: {  	v3 =	vmul.f32 $2.000000030e-01, v2  }
0x7b: {  	vm6 =	vge.f32 v2, $0.0e+00  }
0x7c: {  	v2 =	vsel vm6, v2, v3  }
0x7d: {  	v2 =	vsub.f32 v2, v1;
	_ =	sdelay $0x1  }
0x7e: {  	v2 =	vmul.f32 $1.442695020e+00, v2;
	_ =	sdelay $0x1  }
0x7f: {  	(erf) = vpow2.f32 v2;
	_ =	sdelay $0x2  }
0x80: {  	v2 =	vld [tilespmem:$0x4E40]  }
0x81: {  	v3 =	vld [tilespmem:$0x7680];
	_ =	sdelay $0x4  }
0x82: {  	v4 =	vpop (erf)  }
0x83: {  	[tilespmem:$0x9EB0] =	vst v4  }
0x84: {  	v2 =	vld.idx.msk [tilespmem:v2+s10+$0x0], $0xffff  }
0x85: {  	v3 =	vld.idx.msk [tilespmem:v3+s0+$0x0], $0xffff;
	_ =	sdelay $0x4  }
0x86: {  	v2 =	vadd.f32 v3, v2;
	_ =	sdelay $0x1  }
0x87: {  	v3 =	vmul.f32 $2.000000030e-01, v2  }
0x88: {  	vm6 =	vge.f32 v2, $0.0e+00  }
0x89: {  	v2 =	vsel vm6, v2, v3  }
0x8a: {  	v2 =	vsub.f32 v2, v1;
	_ =	sdelay $0x1  }
0x8b: {  	v2 =	vmul.f32 $1.442695020e+00, v2;
	_ =	sdelay $0x1  }
0x8c: {  	(erf) = vpow2.f32 v2;
	_ =	sdelay $0x2  }
0x8d: {  	v2 =	vld [tilespmem:$0x4E50]  }
0x8e: {  	v3 =	vld [tilespmem:$0x7690];
	_ =	sdelay $0x4  }
0x8f: {  	v62 =	vpop (erf)  }
0x90: {  	[tilespmem:$0x9EC0] =	vst v62  }
0x91: {  	v2 =	vld.idx.msk [tilespmem:v2+s10+$0x0], $0xffff  }
0x92: {  	v3 =	vld.idx.msk [tilespmem:v3+s0+$0x0], $0xffff;
	_ =	sdelay $0x4  }
0x93: {  	v2 =	vadd.f32 v3, v2;
	_ =	sdelay $0x1  }
0x94: {  	v3 =	vmul.f32 $2.000000030e-01, v2  }
0x95: {  	vm6 =	vge.f32 v2, $0.0e+00  }
0x96: {  	v2 =	vsel vm6, v2, v3  }
0x97: {  	v2 =	vsub.f32 v2, v1;
	_ =	sdelay $0x1  }
0x98: {  	v2 =	vmul.f32 $1.442695020e+00, v2;
	_ =	sdelay $0x1  }
0x99: {  	(erf) = vpow2.f32 v2;
	_ =	sdelay $0x2  }
0x9a: {  	v2 =	vld [tilespmem:$0x4E60]  }
0x9b: {  	v3 =	vld [tilespmem:$0x76A0];
	_ =	sdelay $0x4  }
0x9c: {  	v63 =	vpop (erf)  }
0x9d: {  	[tilespmem:$0x9ED0] =	vst v63  }
0x9e: {  	v2 =	vld.idx.msk [tilespmem:v2+s10+$0x0], $0xffff  }
0x9f: {  	v3 =	vld.idx.msk [tilespmem:v3+s0+$0x0], $0xffff;
	_ =	sdelay $0x4  }
0xa0: {  	v2 =	vadd.f32 v3, v2;
	_ =	sdelay $0x1  }
0xa1: {  	v3 =	vmul.f32 $2.000000030e-01, v2  }
0xa2: {  	vm6 =	vge.f32 v2, $0.0e+00  }
0xa3: {  	v2 =	vsel vm6, v2, v3  }
0xa4: {  	v2 =	vsub.f32 v2, v1;
	_ =	sdelay $0x1  }
0xa5: {  	v2 =	vmul.f32 $1.442695020e+00, v2;
	_ =	sdelay $0x1  }
0xa6: {  	(erf) = vpow2.f32 v2;
	_ =	sdelay $0x8  }
0xa7: {  	s23 =	smov.u32 s18;
	s24 =	smov.u32 s19;
	s25 =	smov.u32 s20;
	v2 =	vpop (erf)  }
0xa8: {  	s26 =	smov.u32 s21;
	s28 =	smov.u32 s22;
	s11 =	simm.s32 $0x0;
	[tilespmem:$0x9EE0] =	vst v2  }
0xa9: {  	[tilespmem:s2], [sflag:$0x1] =	stream.indirect.gather [hbm4b:s30+s1], $0x70, s12, s1, $0xb8;
	[tilespmem:$0x1EF30] =	vst v63  }
.LBB2_4:
0xaa: {  	s16 =	sshll.u32 s11, $0x7  }
0xab: {  	v2 =	vld [tilespmem:s16+$0x4E70]  }
0xac: {  	v3 =	vld [tilespmem:s16+$0x76B0];
	_ =	sdelay $0x6  }
0xad: {  	v2 =	vld.idx.msk [tilespmem:v2+s10+$0x0], $0xffff  }
0xae: {  	v3 =	vld.idx.msk [tilespmem:v3+s0+$0x0], $0xffff;
	_ =	sdelay $0x4  }
0xaf: {  	v2 =	vadd.f32 v3, v2;
	_ =	sdelay $0x1  }
0xb0: {  	v3 =	vmul.f32 $2.000000030e-01, v2  }
0xb1: {  	vm6 =	vge.f32 v2, $0.0e+00  }
0xb2: {  	v2 =	vsel vm6, v2, v3  }
0xb3: {  	v2 =	vsub.f32 v2, v1;
	_ =	sdelay $0x1  }
0xb4: {  	v2 =	vmul.f32 $1.442695020e+00, v2;
	_ =	sdelay $0x1  }
0xb5: {  	(erf) = vpow2.f32 v2;
	_ =	sdelay $0x7  }
0xb6: {  	s12 =	sor.u32 $0x40, s16  }
0xb7: {  	p0 =	slt.u32 s12, $0x2710;
	v2 =	vpop (erf)  }
0xb8: {  	v2 =	vpsel !p0, $0x0, v2  }
0xb9: {  	[tilespmem:$0x9EF0] =	vst v2  }
0xba: {  	v2 =	vld [tilespmem:s16+$0x4E80]  }
0xbb: {  	v3 =	vld [tilespmem:s16+$0x76C0];
	_ =	sdelay $0x6  }
0xbc: {  	v2 =	vld.idx.msk [tilespmem:v2+s10+$0x0], $0xffff  }
0xbd: {  	v3 =	vld.idx.msk [tilespmem:v3+s0+$0x0], $0xffff;
	_ =	sdelay $0x4  }
0xbe: {  	v2 =	vadd.f32 v3, v2;
	_ =	sdelay $0x1  }
0xbf: {  	v3 =	vmul.f32 $2.000000030e-01, v2  }
0xc0: {  	vm6 =	vge.f32 v2, $0.0e+00  }
0xc1: {  	v2 =	vsel vm6, v2, v3  }
0xc2: {  	v2 =	vsub.f32 v2, v1;
	_ =	sdelay $0x1  }
0xc3: {  	v2 =	vmul.f32 $1.442695020e+00, v2;
	_ =	sdelay $0x1  }
0xc4: {  	(erf) = vpow2.f32 v2;
	_ =	sdelay $0x7  }
0xc5: {  	s15 =	sor.u32 $0x50, s16  }
0xc6: {  	p4 =	slt.u32 s15, $0x2710;
	v2 =	vpop (erf)  }
0xc7: {  	v2 =	vpsel !p4, $0x0, v2  }
0xc8: {  	[tilespmem:$0x9F00] =	vst v2  }
0xc9: {  	v2 =	vld [tilespmem:s16+$0x4E90]  }
0xca: {  	v3 =	vld [tilespmem:s16+$0x76D0];
	_ =	sdelay $0x6  }
0xcb: {  	v2 =	vld.idx.msk [tilespmem:v2+s10+$0x0], $0xffff  }
0xcc: {  	v3 =	vld.idx.msk [tilespmem:v3+s0+$0x0], $0xffff;
	_ =	sdelay $0x4  }
0xcd: {  	v2 =	vadd.f32 v3, v2;
	_ =	sdelay $0x1  }
0xce: {  	v3 =	vmul.f32 $2.000000030e-01, v2  }
0xcf: {  	vm6 =	vge.f32 v2, $0.0e+00  }
0xd0: {  	v2 =	vsel vm6, v2, v3  }
0xd1: {  	v2 =	vsub.f32 v2, v1;
	_ =	sdelay $0x1  }
0xd2: {  	v2 =	vmul.f32 $1.442695020e+00, v2;
	_ =	sdelay $0x1  }
0xd3: {  	(erf) = vpow2.f32 v2;
	_ =	sdelay $0x7  }
0xd4: {  	s17 =	sor.u32 $0x60, s16  }
0xd5: {  	p5 =	slt.u32 s17, $0x2710;
	v2 =	vpop (erf)  }
0xd6: {  	v2 =	vpsel !p5, $0x0, v2  }
0xd7: {  	[tilespmem:$0x9F10] =	vst v2  }
0xd8: {  	v2 =	vld [tilespmem:s16+$0x4EA0]  }
0xd9: {  	v3 =	vld [tilespmem:s16+$0x76E0];
	_ =	sdelay $0x6  }
0xda: {  	v2 =	vld.idx.msk [tilespmem:v2+s10+$0x0], $0xffff  }
0xdb: {  	v3 =	vld.idx.msk [tilespmem:v3+s0+$0x0], $0xffff;
	_ =	sdelay $0x4  }
0xdc: {  	v2 =	vadd.f32 v3, v2;
	_ =	sdelay $0x1  }
0xdd: {  	v3 =	vmul.f32 $2.000000030e-01, v2  }
0xde: {  	vm6 =	vge.f32 v2, $0.0e+00  }
0xdf: {  	v2 =	vsel vm6, v2, v3  }
0xe0: {  	v2 =	vsub.f32 v2, v1;
	_ =	sdelay $0x1  }
0xe1: {  	v2 =	vmul.f32 $1.442695020e+00, v2;
	_ =	sdelay $0x1  }
0xe2: {  	(erf) = vpow2.f32 v2;
	_ =	sdelay $0x7  }
0xe3: {  	s18 =	sor.u32 $0x70, s16  }
0xe4: {  	p6 =	slt.u32 s18, $0x2710;
	v2 =	vpop (erf)  }
0xe5: {  	v3 =	vmov s10;
	v2 =	vpsel !p6, $0x0, v2  }
0xe6: {  	s19 =	sadd.s32 $0x4E70, s16;
	v3 =	vand.u32 $0xFFFFFFFE, v3;
	[tilespmem:$0x9F20] =	vst v2  }
0xe7: {  	v2 =	vbroadcast v3, $0x0;
	[tilespmem:s4], [sflag:$0x2] =	stream.indirect.gather [hbm4b:s30+s1], $0x70, s19, s1, $0xb8;
	[tilespmem:$0x1EF30] =	vst v63  }
0xe8: {  	_ =	swait.ge [sflag:s5], $0x1C00  }
0xe9: {  	[sflag:s5] =	ssyncset.done $0x0  }
0xea: {  	s31 =	simm.s32 $0x9FA0;
	[sflag:s5] =	ssyncadd.s32 $0xFFFFE400  }
0xeb: {  	v3 =	vld [tilespmem:s31+$0xFFFFFFC0]  }
0xec: {  	v4 =	vld [tilespmem:s31+$0xFFFFFF90]  }
0xed: {  	v2 =	vld.idx.msk [tilespmem:v2+s6+$0x0], $0xffff  }
0xee: {  	v6 =	vld [tilespmem:s31+$0xFFFFFFA0]  }
0xef: {  	v5 =	vld [tilespmem:s31+$0xFFFFFFF0]  }
0xf0: {  	v7 =	vld [tilespmem:s31+$0xFFFFFFB0]  }
0xf1: {  	v8 =	vld [tilespmem:s31+$0xFFFFFFD0]  }
0xf2: {  	v9 =	vld [tilespmem:s31+$0xFFFFFFE0];
	v4 =	vmul.f32 v4, v2;
	v3 =	vmul.f32 v3, v2  }
0xf3: {  	v6 =	vmul.f32 v6, v2  }
0xf4: {  	v5 =	vmul.f32 v5, v2;
	[tilespmem:s31+$0xFFFFFF90] =	vst v4;
	v3 =	vsel vm3, v2, v3  }
0xf5: {  	s20 =	simm.s32 $0x1;
	v4 =	vmul.f32 v7, v2;
	v6 =	vsel vm5, v2, v6;
	[tilespmem:s31+$0xFFFFFFC0] =	vst v3  }
0xf6: {  	v7 =	vmul.f32 v8, v2;
	v3 =	vsel vm0, v2, v5;
	v5 =	vmov s20;
	[tilespmem:s31+$0xFFFFFFA0] =	vst v6  }
0xf7: {  	v10 =	vld [tilespmem:s31+$0x50];
	[tilespmem:s31+$0xFFFFFFF0] =	vst v3;
	v3 =	vmul.f32 v9, v2;
	v4 =	vsel vm4, v2, v4  }
0xf8: {  	v8 =	vld [tilespmem:s31+$0x20];
	v6 =	vsel vm2, v2, v7;
	[tilespmem:s31+$0xFFFFFFB0] =	vst v4  }
0xf9: {  	v7 =	vld [tilespmem:s31+$0x10];
	[tilespmem:s31+$0xFFFFFFD0] =	vst v6;
	v2 =	vsel vm1, v2, v3  }
0xfa: {  	v4 =	vld [tilespmem:s31+$0x0];
	[tilespmem:s31+$0xFFFFFFE0] =	vst v2  }
0xfb: {  	v9 =	vld.idx.msk [tilespmem:v5+s6+$0x0], $0xffff  }
0xfc: {  	s21 =	simm.s32 $0x2;
	v2 =	vld [tilespmem:s31+$0x30]  }
0xfd: {  	s15 =	simm.s32 $0x4;
	v3 =	vld [tilespmem:s31+$0x40];
	v5 =	vmov s21  }
0xfe: {  	s18 =	simm.s32 $0x6;
	v11 =	vmov s15;
	v12 =	vld [tilespmem:s31+$0x60];
	v5 =	vand.u32 $0xFFFFFFFE, v5  }
0xff: {  	s22 =	simm.s32 $0x3;
	v13 =	vmov s18;
	v11 =	vand.u32 $0xFFFFFFFE, v11;
	v6 =	vbroadcast v5, $0x0  }
0x100: {  	v5 =	vmov s22;
	v14 =	vmul.f32 v4, v9;
	v7 =	vmul.f32 v7, v9  }
0x101: {  	v4 =	vbroadcast v11, $0x0;
	v11 =	vand.u32 $0xFFFFFFFE, v13;
	v2 =	vmul.f32 v2, v9  }
0x102: {  	v8 =	vmul.f32 v8, v9;
	v63 =	vmul.f32 v3, v9;
	[tilespmem:s31+$0x0] =	vst v14;
	v7 =	vsel vm5, v9, v7  }
0x103: {  	s17 =	simm.s32 $0x5;
	v10 =	vmul.f32 v10, v9;
	v12 =	vmul.f32 v12, v9;
	[tilespmem:s31+$0x10] =	vst v7;
	v7 =	vsel vm3, v9, v2  }
0x104: {  	s12 =	simm.s32 $0xA160;
	s15 =	sadd.s32 $0x76B0, s16;
	s19 =	simm.s32 $0xA080;
	v3 =	vmov s17;
	v2 =	vbroadcast v11, $0x0;
	v11 =	vsel vm2, v9, v63;
	[tilespmem:s31+$0x30] =	vst v7  }
0x105: {  	s20 =	simm.s32 $0xA240;
	s21 =	simm.s32 $0x8;
	s17 =	simm.s32 $0xA240;
	v7 =	vsel vm4, v9, v8;
	v8 =	vsel vm1, v9, v10;
	[tilespmem:s31+$0x40] =	vst v11;
	v9 =	vsel vm0, v9, v12  }
.LBB2_5:
0x106: {  	p0 =	sne.s32 s21, $0x3E;
	s22 =	sadd.s32 $0x1, s18;
	s20 =	sadd.s32 $0xE0, s20;
	v10 =	vld [tilespmem:s19+$0xFFFFFFF0];
	[tilespmem:s31+$0x50] =	vst v8  }
0x107: {  	s18 =	smov.u32 s21;
	s21 =	sadd.s32 $0x2, s21;
	v8 =	vld [tilespmem:s19+$0xFFFFFFC0];
	[tilespmem:s31+$0x60] =	vst v9  }
0x108: {  	v9 =	vmov s22;
	v11 =	vld [tilespmem:s19+$0xFFFFFFA0];
	[tilespmem:s31+$0x20] =	vst v7;
	s31 =	smov.u32 s19;
	s19 =	smov.u32 s12;
	s12 =	smov.u32 s17  }
0x109: {  	v7 =	vmov s18;
	s17 =	smov.u32 s20;
	v12 =	vld.idx.msk [tilespmem:v6+s6+$0x0], $0xffff;
	v6 =	vmov v4;
	v4 =	vmov v2  }
0x10a: {  	v2 =	vand.u32 $0xFFFFFFFE, v7;
	v7 =	vld [tilespmem:s31+$0xFFFFFF90]  }
0x10b: {  	v2 =	vbroadcast v2, $0x0;
	v13 =	vld [tilespmem:s31+$0xFFFFFFD0]  }
0x10c: {  	v14 =	vld [tilespmem:s31+$0xFFFFFFE0]  }
0x10d: {  	v15 =	vld [tilespmem:s31+$0xFFFFFFB0];
	_ =	sdelay $0x1  }
0x10e: {  	v8 =	vmul.f32 v8, v12;
	v7 =	vmul.f32 v7, v12  }
0x10f: {  	v11 =	vmul.f32 v11, v12;
	v10 =	vmul.f32 v10, v12  }
0x110: {  	[tilespmem:s31+$0xFFFFFF90] =	vst v7;
	v7 =	vsel vm3, v12, v8;
	v8 =	vmul.f32 v13, v12;
	v13 =	vmul.f32 v14, v12  }
0x111: {  	v11 =	vsel vm5, v12, v11;
	v14 =	vmul.f32 v15, v12;
	[tilespmem:s31+$0xFFFFFFC0] =	vst v7;
	v7 =	vsel vm0, v12, v10  }
0x112: {  	v8 =	vsel vm2, v12, v8;
	v10 =	vsel vm1, v12, v13;
	[tilespmem:s31+$0xFFFFFFF0] =	vst v7  }
0x113: {  	[tilespmem:s31+$0xFFFFFFA0] =	vst v11;
	v7 =	vsel vm4, v12, v14  }
0x114: {  	[tilespmem:s31+$0xFFFFFFB0] =	vst v7;
	v7 =	vld [tilespmem:s31+$0x0]  }
0x115: {  	[tilespmem:s31+$0xFFFFFFD0] =	vst v8;
	v8 =	vld [tilespmem:s31+$0x40]  }
0x116: {  	[tilespmem:s31+$0xFFFFFFE0] =	vst v10;
	v10 =	vld [tilespmem:s31+$0x30]  }
0x117: {  	v11 =	vld.idx.msk [tilespmem:v5+s6+$0x0], $0xffff;
	v5 =	vmov v3;
	v3 =	vmov v9  }
0x118: {  	v9 =	vld [tilespmem:s31+$0x10]  }
0x119: {  	v12 =	vld [tilespmem:s31+$0x20]  }
0x11a: {  	v13 =	vld [tilespmem:s31+$0x50]  }
0x11b: {  	v14 =	vld [tilespmem:s31+$0x60];
	_ =	sdelay $0x1  }
0x11c: {  	v7 =	vmul.f32 v7, v11;
	v9 =	vmul.f32 v9, v11  }
.Ltmp1:
0x11d: {  	v10 =	vmul.f32 v10, v11;
	v12 =	vmul.f32 v12, v11;
	(pc) =	sbr.rel @p0 .LBB2_5-.Ltmp1, $4  }
0x11e: {  	v8 =	vmul.f32 v8, v11;
	[tilespmem:s31+$0x0] =	vst v7;
	v7 =	vsel vm5, v11, v9;
	v9 =	vmul.f32 v13, v11  }
0x11f: {  	v10 =	vsel vm3, v11, v10;
	[tilespmem:s31+$0x10] =	vst v7;
	v7 =	vsel vm4, v11, v12;
	v12 =	vmul.f32 v14, v11  }
0x120: {  	[tilespmem:s31+$0x30] =	vst v10;
	v10 =	vsel vm2, v11, v8;
	v8 =	vsel vm1, v11, v9  }
0x121: {  	[tilespmem:s31+$0x40] =	vst v10;
	v9 =	vsel vm0, v11, v12  }
0x122: {  	_ = 	snop  }
0x123: {  	[tilespmem:s31+$0x50] =	vst v8;
	v8 =	vld [tilespmem:s19+$0xFFFFFFF0]  }
0x124: {  	[tilespmem:s31+$0x60] =	vst v9;
	v9 =	vld [tilespmem:s19+$0xFFFFFFC0]  }
0x125: {  	[tilespmem:s31+$0x20] =	vst v7;
	v7 =	vld [tilespmem:s19+$0xFFFFFF90]  }
0x126: {  	v6 =	vld.idx.msk [tilespmem:v6+s6+$0x0], $0xffff  }
0x127: {  	v10 =	vld [tilespmem:s19+$0xFFFFFFA0];
	_ =	sdelay $0x1  }
0x128: {  	v11 =	vld [tilespmem:s19+$0xFFFFFFB0]  }
0x129: {  	v12 =	vld [tilespmem:s19+$0xFFFFFFD0]  }
0x12a: {  	v13 =	vld [tilespmem:s19+$0xFFFFFFE0];
	v7 =	vmul.f32 v7, v6;
	v9 =	vmul.f32 v9, v6  }
0x12b: {  	v10 =	vmul.f32 v10, v6  }
0x12c: {  	v8 =	vmul.f32 v8, v6;
	[tilespmem:s19+$0xFFFFFF90] =	vst v7;
	v7 =	vsel vm3, v6, v9  }
0x12d: {  	v9 =	vmul.f32 v11, v6;
	v10 =	vsel vm5, v6, v10;
	[tilespmem:s19+$0xFFFFFFC0] =	vst v7  }
0x12e: {  	v7 =	vsel vm0, v6, v8;
	v8 =	vmul.f32 v12, v6;
	[tilespmem:s19+$0xFFFFFFA0] =	vst v10  }
0x12f: {  	[tilespmem:s19+$0xFFFFFFF0] =	vst v7;
	v7 =	vmul.f32 v13, v6;
	v9 =	vsel vm4, v6, v9  }
0x130: {  	v8 =	vsel vm2, v6, v8;
	[tilespmem:s19+$0xFFFFFFB0] =	vst v9  }
0x131: {  	v9 =	vld [tilespmem:s19+$0x0];
	v6 =	vsel vm1, v6, v7;
	[tilespmem:s19+$0xFFFFFFD0] =	vst v8  }
0x132: {  	[tilespmem:s19+$0xFFFFFFE0] =	vst v6;
	v6 =	vld [tilespmem:s19+$0x10]  }
0x133: {  	v5 =	vld.idx.msk [tilespmem:v5+s6+$0x0], $0xffff  }
0x134: {  	v7 =	vld [tilespmem:s19+$0x30]  }
0x135: {  	v8 =	vld [tilespmem:s19+$0x40]  }
0x136: {  	v10 =	vld [tilespmem:s19+$0x50]  }
0x137: {  	v11 =	vld [tilespmem:s19+$0x60]  }
0x138: {  	v60 =	vld [tilespmem:s19+$0x20];
	v9 =	vmul.f32 v9, v5;
	v6 =	vmul.f32 v6, v5  }
0x139: {  	v7 =	vmul.f32 v7, v5  }
0x13a: {  	v8 =	vmul.f32 v8, v5;
	[tilespmem:s19+$0x0] =	vst v9;
	v6 =	vsel vm5, v5, v6  }
0x13b: {  	v9 =	vmul.f32 v10, v5;
	[tilespmem:s19+$0x10] =	vst v6;
	v6 =	vsel vm3, v5, v7  }
0x13c: {  	v7 =	vmul.f32 v11, v5;
	[tilespmem:s19+$0x30] =	vst v6;
	v6 =	vsel vm2, v5, v8  }
0x13d: {  	v8 =	vmul.f32 v60, v5;
	v9 =	vsel vm1, v5, v9;
	[tilespmem:s19+$0x40] =	vst v6  }
0x13e: {  	v6 =	vsel vm0, v5, v7;
	[tilespmem:s19+$0x50] =	vst v9;
	v7 =	vld [tilespmem:s12+$0xFFFFFFF0]  }
0x13f: {  	v5 =	vsel vm4, v5, v8;
	[tilespmem:s19+$0x60] =	vst v6;
	v6 =	vld [tilespmem:s12+$0xFFFFFFC0]  }
0x140: {  	[tilespmem:s19+$0x20] =	vst v5;
	v5 =	vld [tilespmem:s12+$0xFFFFFF90]  }
0x141: {  	v4 =	vld.idx.msk [tilespmem:v4+s6+$0x0], $0xffff  }
0x142: {  	v8 =	vld [tilespmem:s12+$0xFFFFFFA0];
	_ =	sdelay $0x1  }
0x143: {  	v9 =	vld [tilespmem:s12+$0xFFFFFFB0]  }
0x144: {  	v10 =	vld [tilespmem:s12+$0xFFFFFFD0]  }
0x145: {  	v11 =	vld [tilespmem:s12+$0xFFFFFFE0];
	v5 =	vmul.f32 v5, v4;
	v6 =	vmul.f32 v6, v4  }
0x146: {  	v8 =	vmul.f32 v8, v4  }
0x147: {  	v7 =	vmul.f32 v7, v4;
	[tilespmem:s12+$0xFFFFFF90] =	vst v5;
	v5 =	vsel vm3, v4, v6  }
0x148: {  	v6 =	vmul.f32 v9, v4;
	v8 =	vsel vm5, v4, v8;
	[tilespmem:s12+$0xFFFFFFC0] =	vst v5  }
0x149: {  	v5 =	vsel vm0, v4, v7;
	v7 =	vmul.f32 v10, v4;
	[tilespmem:s12+$0xFFFFFFA0] =	vst v8  }
0x14a: {  	[tilespmem:s12+$0xFFFFFFF0] =	vst v5;
	v5 =	vmul.f32 v11, v4;
	v6 =	vsel vm4, v4, v6  }
0x14b: {  	v7 =	vsel vm2, v4, v7;
	[tilespmem:s12+$0xFFFFFFB0] =	vst v6  }
0x14c: {  	v6 =	vld [tilespmem:s12+$0x0];
	v4 =	vsel vm1, v4, v5;
	[tilespmem:s12+$0xFFFFFFD0] =	vst v7  }
0x14d: {  	[tilespmem:s12+$0xFFFFFFE0] =	vst v4;
	v4 =	vld [tilespmem:s12+$0x10]  }
0x14e: {  	v3 =	vld.idx.msk [tilespmem:v3+s6+$0x0], $0xffff  }
0x14f: {  	v5 =	vld [tilespmem:s12+$0x30]  }
0x150: {  	v7 =	vld [tilespmem:s12+$0x40]  }
0x151: {  	v8 =	vld [tilespmem:s12+$0x50]  }
0x152: {  	v9 =	vld [tilespmem:s12+$0x60]  }
0x153: {  	v10 =	vld [tilespmem:s12+$0x20];
	v6 =	vmul.f32 v6, v3;
	v4 =	vmul.f32 v4, v3  }
0x154: {  	v5 =	vmul.f32 v5, v3  }
0x155: {  	[tilespmem:s12+$0x0] =	vst v6;
	v4 =	vsel vm5, v3, v4;
	v6 =	vmul.f32 v7, v3  }
0x156: {  	v7 =	vmul.f32 v8, v3;
	[tilespmem:s12+$0x10] =	vst v4;
	v4 =	vsel vm3, v3, v5  }
0x157: {  	v5 =	vmul.f32 v9, v3;
	[tilespmem:s12+$0x30] =	vst v4;
	v4 =	vsel vm2, v3, v6  }
0x158: {  	v6 =	vmul.f32 v10, v3;
	v7 =	vsel vm1, v3, v7;
	[tilespmem:s12+$0x40] =	vst v4  }
0x159: {  	v4 =	vsel vm0, v3, v5;
	[tilespmem:s12+$0x50] =	vst v7;
	v5 =	vld [tilespmem:s17+$0xFFFFFFF0]  }
0x15a: {  	v3 =	vsel vm4, v3, v6;
	[tilespmem:s12+$0x60] =	vst v4;
	v4 =	vld [tilespmem:s17+$0xFFFFFFC0]  }
0x15b: {  	[tilespmem:s12+$0x20] =	vst v3;
	v3 =	vld [tilespmem:s17+$0xFFFFFF90]  }
0x15c: {  	v2 =	vld.idx.msk [tilespmem:v2+s6+$0x0], $0xffff  }
0x15d: {  	v6 =	vld [tilespmem:s17+$0xFFFFFFA0];
	_ =	sdelay $0x1  }
0x15e: {  	v7 =	vld [tilespmem:s17+$0xFFFFFFB0]  }
0x15f: {  	v8 =	vld [tilespmem:s17+$0xFFFFFFD0]  }
0x160: {  	v9 =	vld [tilespmem:s17+$0xFFFFFFE0];
	v3 =	vmul.f32 v3, v2;
	v4 =	vmul.f32 v4, v2  }
0x161: {  	v6 =	vmul.f32 v6, v2  }
0x162: {  	v5 =	vmul.f32 v5, v2;
	[tilespmem:s17+$0xFFFFFF90] =	vst v3;
	v3 =	vsel vm3, v2, v4  }
0x163: {  	s31 =	sadd.s32 $0x1, s18;
	v4 =	vmul.f32 v7, v2;
	v6 =	vsel vm5, v2, v6;
	[tilespmem:s17+$0xFFFFFFC0] =	vst v3  }
0x164: {  	v7 =	vmul.f32 v8, v2;
	v3 =	vsel vm0, v2, v5;
	v5 =	vmov s31;
	[tilespmem:s17+$0xFFFFFFA0] =	vst v6  }
0x165: {  	[tilespmem:s17+$0xFFFFFFF0] =	vst v3;
	v3 =	vmul.f32 v9, v2;
	v4 =	vsel vm4, v2, v4  }
0x166: {  	v6 =	vsel vm2, v2, v7;
	[tilespmem:s17+$0xFFFFFFB0] =	vst v4  }
0x167: {  	v4 =	vld [tilespmem:s17+$0x0];
	[tilespmem:s17+$0xFFFFFFD0] =	vst v6;
	v2 =	vsel vm1, v2, v3  }
0x168: {  	v3 =	vld [tilespmem:s17+$0x10];
	[tilespmem:s17+$0xFFFFFFE0] =	vst v2  }
0x169: {  	v2 =	vld.idx.msk [tilespmem:v5+s6+$0x0], $0xffff  }
0x16a: {  	v5 =	vld [tilespmem:s17+$0x30]  }
0x16b: {  	v6 =	vld [tilespmem:s17+$0x40]  }
0x16c: {  	v7 =	vld [tilespmem:s17+$0x50]  }
0x16d: {  	v8 =	vld [tilespmem:s17+$0x60]  }
0x16e: {  	v9 =	vld [tilespmem:s17+$0x20];
	v4 =	vmul.f32 v4, v2;
	v3 =	vmul.f32 v3, v2  }
0x16f: {  	v5 =	vmul.f32 v5, v2  }
0x170: {  	[tilespmem:s17+$0x0] =	vst v4;
	v3 =	vsel vm5, v2, v3;
	v4 =	vmul.f32 v6, v2  }
0x171: {  	v6 =	vmul.f32 v7, v2;
	[tilespmem:s17+$0x10] =	vst v3;
	v3 =	vsel vm3, v2, v5  }
0x172: {  	v5 =	vmul.f32 v8, v2;
	[tilespmem:s17+$0x30] =	vst v3;
	v3 =	vsel vm2, v2, v4  }
0x173: {  	v4 =	vmul.f32 v9, v2;
	v6 =	vsel vm1, v2, v6;
	[tilespmem:s17+$0x40] =	vst v3  }
0x174: {  	v3 =	vsel vm0, v2, v5;
	[tilespmem:s17+$0x50] =	vst v6  }
0x175: {  	s18 =	sand.u32 $0x3FFFFF80, s16;
	v2 =	vsel vm4, v2, v4;
	[tilespmem:s17+$0x60] =	vst v3  }
0x176: {  	s12 =	sadd.s32 $0x7670, s18;
	[tilespmem:s17+$0x20] =	vst v2  }
0x177: {  	[spmem:s14] =	stream.indirect.scatter.add.f32 [tilespmem:s2], [sflag:$0x3], $0x70, s12, s1, $0xb8;
	[tilespmem:$0x1EF30] =	vst v63  }
0x178: {  	_ =	swait.ge [sflag:s13], $0x1C00  }
0x179: {  	[sflag:s13] =	ssyncset.done $0x0  }
0x17a: {  	[sflag:s13] =	ssyncadd.s32 $0xFFFFE400  }
0x17b: {  	v2 =	vld [tilespmem:s16+$0x4EB0]  }
0x17c: {  	v3 =	vld [tilespmem:s16+$0x76F0];
	_ =	sdelay $0x5  }
0x17d: {  	s19 =	simm.s32 $0x0  }
0x17e: {  	v2 =	vld.idx.msk [tilespmem:v2+s19+$0x0], $0xffff  }
0x17f: {  	v3 =	vld.idx.msk [tilespmem:v3+s0+$0x0], $0xffff;
	_ =	sdelay $0x4  }
0x180: {  	v2 =	vadd.f32 v3, v2;
	_ =	sdelay $0x1  }
0x181: {  	v3 =	vmul.f32 $2.000000030e-01, v2  }
0x182: {  	vm6 =	vge.f32 v2, $0.0e+00  }
0x183: {  	v2 =	vsel vm6, v2, v3  }
0x184: {  	v2 =	vsub.f32 v2, v1;
	_ =	sdelay $0x1  }
0x185: {  	v2 =	vmul.f32 $1.442695020e+00, v2;
	_ =	sdelay $0x1  }
0x186: {  	(erf) = vpow2.f32 v2;
	_ =	sdelay $0x7  }
0x187: {  	s20 =	sadd.s32 $0x80, s16  }
0x188: {  	p0 =	slt.u32 s20, $0x2710;
	v2 =	vpop (erf)  }
0x189: {  	v2 =	vpsel !p0, $0x0, v2  }
0x18a: {  	[tilespmem:$0x9EB0] =	vst v2  }
0x18b: {  	v2 =	vld [tilespmem:s16+$0x4EC0]  }
0x18c: {  	v3 =	vld [tilespmem:s16+$0x7700];
	_ =	sdelay $0x6  }
0x18d: {  	v2 =	vld.idx.msk [tilespmem:v2+s19+$0x0], $0xffff  }
0x18e: {  	v3 =	vld.idx.msk [tilespmem:v3+s0+$0x0], $0xffff;
	_ =	sdelay $0x4  }
0x18f: {  	v2 =	vadd.f32 v3, v2;
	_ =	sdelay $0x1  }
0x190: {  	v3 =	vmul.f32 $2.000000030e-01, v2  }
0x191: {  	vm6 =	vge.f32 v2, $0.0e+00  }
0x192: {  	v2 =	vsel vm6, v2, v3  }
0x193: {  	v2 =	vsub.f32 v2, v1;
	_ =	sdelay $0x1  }
0x194: {  	v2 =	vmul.f32 $1.442695020e+00, v2;
	_ =	sdelay $0x1  }
0x195: {  	(erf) = vpow2.f32 v2;
	_ =	sdelay $0x7  }
0x196: {  	s21 =	sadd.s32 $0x90, s16  }
0x197: {  	p4 =	slt.u32 s21, $0x2710;
	v2 =	vpop (erf)  }
0x198: {  	v2 =	vpsel !p4, $0x0, v2  }
0x199: {  	[tilespmem:$0x9EC0] =	vst v2  }
0x19a: {  	v2 =	vld [tilespmem:s16+$0x4ED0]  }
0x19b: {  	v3 =	vld [tilespmem:s16+$0x7710];
	_ =	sdelay $0x6  }
0x19c: {  	v2 =	vld.idx.msk [tilespmem:v2+s19+$0x0], $0xffff  }
0x19d: {  	v3 =	vld.idx.msk [tilespmem:v3+s0+$0x0], $0xffff;
	_ =	sdelay $0x4  }
0x19e: {  	v2 =	vadd.f32 v3, v2;
	_ =	sdelay $0x1  }
0x19f: {  	v3 =	vmul.f32 $2.000000030e-01, v2  }
0x1a0: {  	vm6 =	vge.f32 v2, $0.0e+00  }
0x1a1: {  	v2 =	vsel vm6, v2, v3  }
0x1a2: {  	v2 =	vsub.f32 v2, v1;
	_ =	sdelay $0x1  }
0x1a3: {  	v2 =	vmul.f32 $1.442695020e+00, v2;
	_ =	sdelay $0x1  }
0x1a4: {  	(erf) = vpow2.f32 v2;
	_ =	sdelay $0x7  }
0x1a5: {  	s22 =	sadd.s32 $0xA0, s16  }
0x1a6: {  	p5 =	slt.u32 s22, $0x2710;
	v2 =	vpop (erf)  }
0x1a7: {  	v2 =	vpsel !p5, $0x0, v2  }
0x1a8: {  	[tilespmem:$0x9ED0] =	vst v2  }
0x1a9: {  	v2 =	vld [tilespmem:s16+$0x4EE0]  }
0x1aa: {  	v3 =	vld [tilespmem:s16+$0x7720];
	_ =	sdelay $0x6  }
0x1ab: {  	v2 =	vld.idx.msk [tilespmem:v2+s19+$0x0], $0xffff  }
0x1ac: {  	v3 =	vld.idx.msk [tilespmem:v3+s0+$0x0], $0xffff;
	_ =	sdelay $0x4  }
0x1ad: {  	v2 =	vadd.f32 v3, v2;
	_ =	sdelay $0x1  }
0x1ae: {  	v3 =	vmul.f32 $2.000000030e-01, v2  }
0x1af: {  	vm6 =	vge.f32 v2, $0.0e+00  }
0x1b0: {  	v2 =	vsel vm6, v2, v3  }
0x1b1: {  	v2 =	vsub.f32 v2, v1;
	_ =	sdelay $0x1  }
0x1b2: {  	v2 =	vmul.f32 $1.442695020e+00, v2;
	_ =	sdelay $0x1  }
0x1b3: {  	(erf) = vpow2.f32 v2;
	_ =	sdelay $0x7  }
0x1b4: {  	s31 =	sadd.s32 $0xB0, s16  }
0x1b5: {  	p6 =	slt.u32 s31, $0x2710;
	v2 =	vpop (erf)  }
0x1b6: {  	v3 =	vmov s19;
	v2 =	vpsel !p6, $0x0, v2  }
0x1b7: {  	s18 =	sadd.s32 $0x4EB0, s16;
	v3 =	vand.u32 $0xFFFFFFFE, v3;
	[tilespmem:$0x9EE0] =	vst v2  }
0x1b8: {  	v2 =	vbroadcast v3, $0x0;
	[tilespmem:s2], [sflag:$0x1] =	stream.indirect.gather [hbm4b:s30+s1], $0x70, s18, s1, $0xb8;
	[tilespmem:$0x1EF30] =	vst v63  }
0x1b9: {  	_ =	swait.ge [sflag:s7], $0x1C00  }
0x1ba: {  	[sflag:s7] =	ssyncset.done $0x0  }
0x1bb: {  	s18 =	simm.s32 $0xBBA0;
	[sflag:s7] =	ssyncadd.s32 $0xFFFFE400  }
0x1bc: {  	v3 =	vld [tilespmem:s18+$0xFFFFFFC0]  }
0x1bd: {  	v4 =	vld [tilespmem:s18+$0xFFFFFF90]  }
0x1be: {  	v2 =	vld.idx.msk [tilespmem:v2+s8+$0x0], $0xffff  }
0x1bf: {  	v6 =	vld [tilespmem:s18+$0xFFFFFFA0]  }
0x1c0: {  	v5 =	vld [tilespmem:s18+$0xFFFFFFF0]  }
0x1c1: {  	v7 =	vld [tilespmem:s18+$0xFFFFFFB0]  }
0x1c2: {  	v8 =	vld [tilespmem:s18+$0xFFFFFFD0]  }
0x1c3: {  	v9 =	vld [tilespmem:s18+$0xFFFFFFE0];
	v4 =	vmul.f32 v4, v2;
	v3 =	vmul.f32 v3, v2  }
0x1c4: {  	v6 =	vmul.f32 v6, v2  }
0x1c5: {  	v5 =	vmul.f32 v5, v2;
	[tilespmem:s18+$0xFFFFFF90] =	vst v4;
	v3 =	vsel vm3, v2, v3  }
0x1c6: {  	s19 =	simm.s32 $0x1;
	v4 =	vmul.f32 v7, v2;
	v6 =	vsel vm5, v2, v6;
	[tilespmem:s18+$0xFFFFFFC0] =	vst v3  }
0x1c7: {  	v7 =	vmul.f32 v8, v2;
	v3 =	vsel vm0, v2, v5;
	v5 =	vmov s19;
	[tilespmem:s18+$0xFFFFFFA0] =	vst v6  }
0x1c8: {  	v10 =	vld [tilespmem:s18+$0x50];
	[tilespmem:s18+$0xFFFFFFF0] =	vst v3;
	v3 =	vmul.f32 v9, v2;
	v4 =	vsel vm4, v2, v4  }
0x1c9: {  	v8 =	vld [tilespmem:s18+$0x20];
	v6 =	vsel vm2, v2, v7;
	[tilespmem:s18+$0xFFFFFFB0] =	vst v4  }
0x1ca: {  	v7 =	vld [tilespmem:s18+$0x10];
	[tilespmem:s18+$0xFFFFFFD0] =	vst v6;
	v2 =	vsel vm1, v2, v3  }
0x1cb: {  	v4 =	vld [tilespmem:s18+$0x0];
	[tilespmem:s18+$0xFFFFFFE0] =	vst v2  }
0x1cc: {  	v9 =	vld.idx.msk [tilespmem:v5+s8+$0x0], $0xffff  }
0x1cd: {  	s20 =	simm.s32 $0x2;
	v2 =	vld [tilespmem:s18+$0x30]  }
0x1ce: {  	s21 =	simm.s32 $0x4;
	v3 =	vld [tilespmem:s18+$0x40];
	v5 =	vmov s20  }
0x1cf: {  	v11 =	vmov s21;
	s17 =	simm.s32 $0x6;
	v61 =	vld [tilespmem:s18+$0x60];
	v5 =	vand.u32 $0xFFFFFFFE, v5  }
0x1d0: {  	s22 =	simm.s32 $0x3;
	v11 =	vand.u32 $0xFFFFFFFE, v11;
	v62 =	vmov s17;
	v6 =	vbroadcast v5, $0x0  }
0x1d1: {  	v5 =	vmov s22;
	v14 =	vmul.f32 v4, v9;
	v7 =	vmul.f32 v7, v9  }
0x1d2: {  	v4 =	vbroadcast v11, $0x0;
	v11 =	vand.u32 $0xFFFFFFFE, v62;
	v2 =	vmul.f32 v2, v9  }
0x1d3: {  	v8 =	vmul.f32 v8, v9;
	v63 =	vmul.f32 v3, v9;
	[tilespmem:s18+$0x0] =	vst v14;
	v7 =	vsel vm5, v9, v7  }
0x1d4: {  	s31 =	simm.s32 $0x5;
	v10 =	vmul.f32 v10, v9;
	v12 =	vmul.f32 v61, v9;
	[tilespmem:s18+$0x10] =	vst v7;
	v7 =	vsel vm3, v9, v2  }
0x1d5: {  	s21 =	simm.s32 $0x8;
	s12 =	simm.s32 $0xBD60;
	v3 =	vmov s31;
	v2 =	vbroadcast v11, $0x0;
	v11 =	vsel vm2, v9, v63;
	[tilespmem:s18+$0x30] =	vst v7  }
0x1d6: {  	s16 =	simm.s32 $0xBE40;
	s19 =	simm.s32 $0xBC80;
	s20 =	simm.s32 $0xBE40;
	v7 =	vsel vm4, v9, v8;
	v8 =	vsel vm1, v9, v10;
	[tilespmem:s18+$0x40] =	vst v11;
	v9 =	vsel vm0, v9, v12  }
.LBB2_7:
0x1d7: {  	p0 =	sne.s32 s21, $0x3E;
	s22 =	sadd.s32 $0x1, s17;
	s20 =	sadd.s32 $0xE0, s20;
	v10 =	vld [tilespmem:s19+$0xFFFFFFF0];
	[tilespmem:s18+$0x50] =	vst v8  }
0x1d8: {  	s17 =	smov.u32 s21;
	s21 =	sadd.s32 $0x2, s21;
	v8 =	vld [tilespmem:s19+$0xFFFFFFC0];
	[tilespmem:s18+$0x60] =	vst v9  }
0x1d9: {  	v9 =	vmov s22;
	v11 =	vld [tilespmem:s19+$0xFFFFFFA0];
	[tilespmem:s18+$0x20] =	vst v7;
	s18 =	smov.u32 s19;
	s19 =	smov.u32 s12;
	s12 =	smov.u32 s16  }
0x1da: {  	v7 =	vmov s17;
	s16 =	smov.u32 s20;
	v12 =	vld.idx.msk [tilespmem:v6+s8+$0x0], $0xffff;
	v6 =	vmov v4;
	v4 =	vmov v2  }
0x1db: {  	v2 =	vand.u32 $0xFFFFFFFE, v7;
	v7 =	vld [tilespmem:s18+$0xFFFFFF90]  }
0x1dc: {  	v2 =	vbroadcast v2, $0x0;
	v13 =	vld [tilespmem:s18+$0xFFFFFFD0]  }
0x1dd: {  	v14 =	vld [tilespmem:s18+$0xFFFFFFE0]  }
0x1de: {  	v15 =	vld [tilespmem:s18+$0xFFFFFFB0];
	_ =	sdelay $0x1  }
0x1df: {  	v8 =	vmul.f32 v8, v12;
	v7 =	vmul.f32 v7, v12  }
0x1e0: {  	v11 =	vmul.f32 v11, v12;
	v10 =	vmul.f32 v10, v12  }
0x1e1: {  	[tilespmem:s18+$0xFFFFFF90] =	vst v7;
	v7 =	vsel vm3, v12, v8;
	v8 =	vmul.f32 v13, v12;
	v13 =	vmul.f32 v14, v12  }
0x1e2: {  	v11 =	vsel vm5, v12, v11;
	v14 =	vmul.f32 v15, v12;
	[tilespmem:s18+$0xFFFFFFC0] =	vst v7;
	v7 =	vsel vm0, v12, v10  }
0x1e3: {  	v8 =	vsel vm2, v12, v8;
	v10 =	vsel vm1, v12, v13;
	[tilespmem:s18+$0xFFFFFFF0] =	vst v7  }
0x1e4: {  	[tilespmem:s18+$0xFFFFFFA0] =	vst v11;
	v7 =	vsel vm4, v12, v14  }
0x1e5: {  	[tilespmem:s18+$0xFFFFFFB0] =	vst v7;
	v7 =	vld [tilespmem:s18+$0x0]  }
0x1e6: {  	[tilespmem:s18+$0xFFFFFFD0] =	vst v8;
	v8 =	vld [tilespmem:s18+$0x40]  }
0x1e7: {  	[tilespmem:s18+$0xFFFFFFE0] =	vst v10;
	v10 =	vld [tilespmem:s18+$0x30]  }
0x1e8: {  	v11 =	vld.idx.msk [tilespmem:v5+s8+$0x0], $0xffff;
	v5 =	vmov v3;
	v3 =	vmov v9  }
0x1e9: {  	v9 =	vld [tilespmem:s18+$0x10]  }
0x1ea: {  	v12 =	vld [tilespmem:s18+$0x20]  }
0x1eb: {  	v13 =	vld [tilespmem:s18+$0x50]  }
0x1ec: {  	v14 =	vld [tilespmem:s18+$0x60];
	_ =	sdelay $0x1  }
0x1ed: {  	v7 =	vmul.f32 v7, v11;
	v9 =	vmul.f32 v9, v11  }
.Ltmp2:
0x1ee: {  	v10 =	vmul.f32 v10, v11;
	v12 =	vmul.f32 v12, v11;
	(pc) =	sbr.rel @p0 .LBB2_7-.Ltmp2, $4  }
0x1ef: {  	v8 =	vmul.f32 v8, v11;
	[tilespmem:s18+$0x0] =	vst v7;
	v7 =	vsel vm5, v11, v9;
	v9 =	vmul.f32 v13, v11  }
0x1f0: {  	v10 =	vsel vm3, v11, v10;
	[tilespmem:s18+$0x10] =	vst v7;
	v7 =	vsel vm4, v11, v12;
	v12 =	vmul.f32 v14, v11  }
0x1f1: {  	[tilespmem:s18+$0x30] =	vst v10;
	v10 =	vsel vm2, v11, v8;
	v8 =	vsel vm1, v11, v9  }
0x1f2: {  	[tilespmem:s18+$0x40] =	vst v10;
	v9 =	vsel vm0, v11, v12  }
0x1f3: {  	_ = 	snop  }
0x1f4: {  	[tilespmem:s18+$0x50] =	vst v8;
	v48 =	vld [tilespmem:s19+$0xFFFFFFF0]  }
0x1f5: {  	[tilespmem:s18+$0x60] =	vst v9;
	v49 =	vld [tilespmem:s19+$0xFFFFFFC0]  }
0x1f6: {  	[tilespmem:s18+$0x20] =	vst v7;
	v50 =	vld [tilespmem:s19+$0xFFFFFF90]  }
0x1f7: {  	v6 =	vld.idx.msk [tilespmem:v6+s8+$0x0], $0xffff;
	_ =	sdelay $0x1  }
0x1f8: {  	v10 =	vld [tilespmem:s19+$0xFFFFFFA0]  }
0x1f9: {  	v11 =	vld [tilespmem:s19+$0xFFFFFFB0]  }
0x1fa: {  	v12 =	vld [tilespmem:s19+$0xFFFFFFD0]  }
0x1fb: {  	v13 =	vld [tilespmem:s19+$0xFFFFFFE0];
	v7 =	vmul.f32 v50, v6;
	v9 =	vmul.f32 v49, v6  }
0x1fc: {  	v8 =	vmul.f32 v48, v6  }
0x1fd: {  	v10 =	vmul.f32 v10, v6;
	[tilespmem:s19+$0xFFFFFF90] =	vst v7;
	v51 =	vsel vm3, v6, v9  }
0x1fe: {  	v52 =	vmul.f32 v11, v6;
	v53 =	vsel vm0, v6, v8;
	[tilespmem:s19+$0xFFFFFFC0] =	vst v51  }
0x1ff: {  	v54 =	vmul.f32 v12, v6;
	v10 =	vsel vm5, v6, v10;
	[tilespmem:s19+$0xFFFFFFF0] =	vst v53  }
0x200: {  	v55 =	vmul.f32 v13, v6;
	v9 =	vsel vm4, v6, v52;
	[tilespmem:s19+$0xFFFFFFA0] =	vst v10  }
0x201: {  	v8 =	vsel vm2, v6, v54;
	[tilespmem:s19+$0xFFFFFFB0] =	vst v9  }
0x202: {  	v56 =	vld [tilespmem:s19+$0x0];
	v6 =	vsel vm1, v6, v55;
	[tilespmem:s19+$0xFFFFFFD0] =	vst v8  }
0x203: {  	v57 =	vld [tilespmem:s19+$0x10];
	[tilespmem:s19+$0xFFFFFFE0] =	vst v6  }
0x204: {  	v5 =	vld.idx.msk [tilespmem:v5+s8+$0x0], $0xffff  }
0x205: {  	v58 =	vld [tilespmem:s19+$0x30]  }
0x206: {  	v59 =	vld [tilespmem:s19+$0x40]  }
0x207: {  	v60 =	vld [tilespmem:s19+$0x50]  }
0x208: {  	v61 =	vld [tilespmem:s19+$0x60]  }
0x209: {  	v62 =	vld [tilespmem:s19+$0x20];
	v9 =	vmul.f32 v56, v5;
	v6 =	vmul.f32 v57, v5  }
0x20a: {  	v7 =	vmul.f32 v58, v5  }
0x20b: {  	v8 =	vmul.f32 v59, v5;
	[tilespmem:s19+$0x0] =	vst v9;
	v6 =	vsel vm5, v5, v6  }
0x20c: {  	v63 =	vmul.f32 v60, v5;
	v13 =	vsel vm3, v5, v7;
	[tilespmem:s19+$0x10] =	vst v6  }
0x20d: {  	v14 =	vmul.f32 v61, v5;
	v15 =	vsel vm2, v5, v8;
	[tilespmem:s19+$0x30] =	vst v13  }
0x20e: {  	v16 =	vmul.f32 v62, v5;
	v9 =	vsel vm1, v5, v63;
	[tilespmem:s19+$0x40] =	vst v15  }
0x20f: {  	v19 =	vld [tilespmem:s12+$0xFFFFFFC0];
	v17 =	vsel vm0, v5, v14;
	[tilespmem:s19+$0x50] =	vst v9  }
0x210: {  	v20 =	vld [tilespmem:s12+$0xFFFFFF90];
	v5 =	vsel vm4, v5, v16;
	[tilespmem:s19+$0x60] =	vst v17  }
0x211: {  	v18 =	vld [tilespmem:s12+$0xFFFFFFF0];
	[tilespmem:s19+$0x20] =	vst v5  }
0x212: {  	v4 =	vld.idx.msk [tilespmem:v4+s8+$0x0], $0xffff;
	_ =	sdelay $0x1  }
0x213: {  	v21 =	vld [tilespmem:s12+$0xFFFFFFA0]  }
0x214: {  	v22 =	vld [tilespmem:s12+$0xFFFFFFB0]  }
0x215: {  	v23 =	vld [tilespmem:s12+$0xFFFFFFD0]  }
0x216: {  	v24 =	vld [tilespmem:s12+$0xFFFFFFE0];
	v5 =	vmul.f32 v20, v4;
	v6 =	vmul.f32 v19, v4  }
0x217: {  	v7 =	vmul.f32 v18, v4  }
0x218: {  	v8 =	vmul.f32 v21, v4;
	[tilespmem:s12+$0xFFFFFF90] =	vst v5;
	v25 =	vsel vm3, v4, v6  }
0x219: {  	v26 =	vmul.f32 v22, v4;
	v27 =	vsel vm0, v4, v7;
	[tilespmem:s12+$0xFFFFFFC0] =	vst v25  }
0x21a: {  	v28 =	vmul.f32 v23, v4;
	v8 =	vsel vm5, v4, v8;
	[tilespmem:s12+$0xFFFFFFF0] =	vst v27  }
0x21b: {  	v29 =	vmul.f32 v24, v4;
	v6 =	vsel vm4, v4, v26;
	[tilespmem:s12+$0xFFFFFFA0] =	vst v8  }
0x21c: {  	v7 =	vsel vm2, v4, v28;
	[tilespmem:s12+$0xFFFFFFB0] =	vst v6  }
0x21d: {  	v30 =	vld [tilespmem:s12+$0x0];
	v4 =	vsel vm1, v4, v29;
	[tilespmem:s12+$0xFFFFFFD0] =	vst v7  }
0x21e: {  	v31 =	vld [tilespmem:s12+$0x10];
	[tilespmem:s12+$0xFFFFFFE0] =	vst v4  }
0x21f: {  	v3 =	vld.idx.msk [tilespmem:v3+s8+$0x0], $0xffff  }
0x220: {  	v32 =	vld [tilespmem:s12+$0x30]  }
0x221: {  	v33 =	vld [tilespmem:s12+$0x40]  }
0x222: {  	v34 =	vld [tilespmem:s12+$0x50]  }
0x223: {  	v35 =	vld [tilespmem:s12+$0x60]  }
0x224: {  	v36 =	vld [tilespmem:s12+$0x20];
	v6 =	vmul.f32 v30, v3;
	v4 =	vmul.f32 v31, v3  }
0x225: {  	v5 =	vmul.f32 v32, v3  }
0x226: {  	v37 =	vmul.f32 v33, v3;
	[tilespmem:s12+$0x0] =	vst v6;
	v4 =	vsel vm5, v3, v4  }
0x227: {  	v38 =	vmul.f32 v34, v3;
	v39 =	vsel vm3, v3, v5;
	[tilespmem:s12+$0x10] =	vst v4  }
0x228: {  	v40 =	vmul.f32 v35, v3;
	v41 =	vsel vm2, v3, v37;
	[tilespmem:s12+$0x30] =	vst v39  }
0x229: {  	v42 =	vmul.f32 v36, v3;
	v7 =	vsel vm1, v3, v38;
	[tilespmem:s12+$0x40] =	vst v41  }
0x22a: {  	v45 =	vld [tilespmem:s16+$0xFFFFFFC0];
	v43 =	vsel vm0, v3, v40;
	[tilespmem:s12+$0x50] =	vst v7  }
0x22b: {  	v3 =	vsel vm4, v3, v42;
	[tilespmem:s12+$0x60] =	vst v43;
	v44 =	vld [tilespmem:s16+$0xFFFFFFF0]  }
0x22c: {  	[tilespmem:s12+$0x20] =	vst v3;
	v3 =	vld [tilespmem:s16+$0xFFFFFF90]  }
0x22d: {  	v2 =	vld.idx.msk [tilespmem:v2+s8+$0x0], $0xffff  }
0x22e: {  	v46 =	vld [tilespmem:s16+$0xFFFFFFA0];
	_ =	sdelay $0x1  }
0x22f: {  	v47 =	vld [tilespmem:s16+$0xFFFFFFB0]  }
0x230: {  	v48 =	vld [tilespmem:s16+$0xFFFFFFD0]  }
0x231: {  	v49 =	vld [tilespmem:s16+$0xFFFFFFE0];
	v3 =	vmul.f32 v3, v2;
	v4 =	vmul.f32 v45, v2  }
0x232: {  	v6 =	vmul.f32 v46, v2  }
0x233: {  	v5 =	vmul.f32 v44, v2;
	[tilespmem:s16+$0xFFFFFF90] =	vst v3;
	v3 =	vsel vm3, v2, v4  }
0x234: {  	s31 =	sadd.s32 $0x1, s17;
	v50 =	vmul.f32 v47, v2;
	v6 =	vsel vm5, v2, v6;
	[tilespmem:s16+$0xFFFFFFC0] =	vst v3  }
0x235: {  	v51 =	vmov s31;
	v52 =	vmul.f32 v48, v2;
	v3 =	vsel vm0, v2, v5;
	[tilespmem:s16+$0xFFFFFFA0] =	vst v6  }
0x236: {  	v4 =	vsel vm4, v2, v50;
	[tilespmem:s16+$0xFFFFFFF0] =	vst v3;
	v3 =	vmul.f32 v49, v2  }
0x237: {  	v53 =	vsel vm2, v2, v52;
	[tilespmem:s16+$0xFFFFFFB0] =	vst v4  }
0x238: {  	v54 =	vld [tilespmem:s16+$0x0];
	[tilespmem:s16+$0xFFFFFFD0] =	vst v53;
	v2 =	vsel vm1, v2, v3  }
0x239: {  	v3 =	vld [tilespmem:s16+$0x10];
	[tilespmem:s16+$0xFFFFFFE0] =	vst v2  }
0x23a: {  	v2 =	vld.idx.msk [tilespmem:v51+s8+$0x0], $0xffff  }
0x23b: {  	v57 =	vld [tilespmem:s16+$0x50]  }
0x23c: {  	v55 =	vld [tilespmem:s16+$0x30]  }
0x23d: {  	v56 =	vld [tilespmem:s16+$0x40]  }
0x23e: {  	v58 =	vld [tilespmem:s16+$0x60]  }
0x23f: {  	v59 =	vld [tilespmem:s16+$0x20];
	v4 =	vmul.f32 v54, v2;
	v3 =	vmul.f32 v3, v2  }
0x240: {  	v61 =	vmul.f32 v57, v2  }
0x241: {  	v5 =	vmul.f32 v55, v2;
	[tilespmem:s16+$0x0] =	vst v4;
	v3 =	vsel vm5, v2, v3  }
0x242: {  	v60 =	vmul.f32 v56, v2;
	v6 =	vsel vm1, v2, v61;
	[tilespmem:s16+$0x10] =	vst v3  }
0x243: {  	v62 =	vmul.f32 v58, v2;
	v3 =	vsel vm3, v2, v5;
	[tilespmem:s16+$0x50] =	vst v6  }
0x244: {  	v63 =	vmul.f32 v59, v2;
	[tilespmem:s16+$0x30] =	vst v3;
	v3 =	vsel vm2, v2, v60  }
0x245: {  	s11 =	sadd.s32 $0x1, s11;
	[tilespmem:s16+$0x40] =	vst v3;
	v3 =	vsel vm0, v2, v62  }
0x246: {  	p0 =	sne.s32 s11, $0x50;
	v2 =	vsel vm4, v2, v63;
	[tilespmem:s16+$0x60] =	vst v3  }
.Ltmp3:
0x247: {  	[tilespmem:s16+$0x20] =	vst v2;
	(pc) =	sbr.rel @p0 .LBB2_4-.Ltmp3, $4  }
0x248: {  	[spmem:s14] =	stream.indirect.scatter.add.f32 [tilespmem:s4], [sflag:$0x3], $0x70, s15, s1, $0xb8;
	[tilespmem:$0x1EF30] =	vst v63  }
0x249: {  	_ =	swait.ge [sflag:s13], $0x1C00  }
0x24a: {  	[sflag:s13] =	ssyncset.done $0x0  }
0x24b: {  	[sflag:s13] =	ssyncadd.s32 $0xFFFFE400  }
0x24c: {  	_ =	swait.ge [sflag:s5], $0x1C00  }
0x24d: {  	[sflag:s5] =	ssyncset.done $0x0  }
0x24e: {  	s10 =	stileid.u32;
	[sflag:s5] =	ssyncadd.s32 $0xFFFFE400  }
0x24f: {  	s10 =	sshll.u32 s10, $0x6;
	[bflag:$0x0] =	sbarrier.arrive $0xFFFF  }
0x250: {  	s11 =	sshrl.u32 s23, $0x3;
	s10 =	sor.u32 $0x1C03, s10;
	s12 =	rddreg [dreg:$0x7]  }
0x251: {  	[hbm:s12], [sflag:s10] =	dma.local [spmem:s11], $0x380  }
0x252: {  	_ =	swait.ge [sflag:s13], $0x380  }
0x253: {  	[sflag:s13] =	ssyncset.done $0x0  }
0x254: {  	s17 =	sshrl.u32 s24, $0x3;
	s20 =	rddreg [dreg:$0x8];
	[sflag:s13] =	ssyncadd.s32 $0xFFFFFC80  }
0x255: {  	[hbm:s20], [sflag:s10] =	dma.local [spmem:s17], $0x380  }
0x256: {  	_ =	swait.ge [sflag:s13], $0x380  }
0x257: {  	[sflag:s13] =	ssyncset.done $0x0  }
0x258: {  	s21 =	sshrl.u32 s25, $0x3;
	s22 =	rddreg [dreg:$0x9];
	[sflag:s13] =	ssyncadd.s32 $0xFFFFFC80  }
0x259: {  	[hbm:s22], [sflag:s10] =	dma.local [spmem:s21], $0x380  }
0x25a: {  	_ =	swait.ge [sflag:s13], $0x380  }
0x25b: {  	s18 =	smov.u32 s23;
	s19 =	smov.u32 s24;
	[sflag:s13] =	ssyncset.done $0x0  }
0x25c: {  	s23 =	sshrl.u32 s26, $0x3;
	s24 =	rddreg [dreg:$0xa];
	[sflag:s13] =	ssyncadd.s32 $0xFFFFFC80  }
0x25d: {  	[hbm:s24], [sflag:s10] =	dma.local [spmem:s23], $0x380  }
0x25e: {  	_ =	swait.ge [sflag:s13], $0x380  }
0x25f: {  	s20 =	smov.u32 s25;
	s25 =	sshrl.u32 s28, $0x3;
	[sflag:s13] =	ssyncset.done $0x0  }
0x260: {  	s21 =	smov.u32 s26;
	s26 =	rddreg [dreg:$0xb];
	[sflag:s13] =	ssyncadd.s32 $0xFFFFFC80  }
0x261: {  	[hbm:s26], [sflag:s10] =	dma.local [spmem:s25], $0x380  }
0x262: {  	_ =	swait.ge [sflag:s13], $0x380  }
0x263: {  	s31 =	smov.u32 s29;
	s22 =	smov.u32 s28;
	[sflag:s13] =	ssyncset.done $0x0  }
0x264: {  	s28 =	sshrl.u32 s29, $0x3;
	s29 =	rddreg [dreg:$0xc];
	[sflag:s13] =	ssyncadd.s32 $0xFFFFFC80  }
0x265: {  	[hbm:s29], [sflag:s10] =	dma.local [spmem:s28], $0x380  }
0x266: {  	_ =	swait.ge [sflag:s13], $0x380  }
0x267: {  	[sflag:s13] =	ssyncset.done $0x0;
	s15 =	rddreg [dreg:$0x13]  }
0x268: {  	s16 =	rddreg [dreg:$0xd];
	[sflag:s13] =	ssyncadd.s32 $0xFFFFFC80;
	s11 =	sshrl.u32 s15, $0x3  }
0x269: {  	[hbm:s16], [sflag:s10] =	dma.local [spmem:s11], $0x380  }
0x26a: {  	_ =	swait.ge [sflag:s13], $0x380  }
0x26b: {  	[sflag:s13] =	ssyncset.done $0x0;
	s16 =	rddreg [dreg:$0x14]  }
0x26c: {  	s23 =	rddreg [dreg:$0xe];
	[sflag:s13] =	ssyncadd.s32 $0xFFFFFC80;
	s17 =	sshrl.u32 s16, $0x3  }
0x26d: {  	[hbm:s23], [sflag:s10] =	dma.local [spmem:s17], $0x380  }
0x26e: {  	_ =	swait.ge [sflag:s13], $0x380  }
0x26f: {  	[sflag:s13] =	ssyncset.done $0x0;
	s15 =	rddreg [dreg:$0x15]  }
0x270: {  	s25 =	rddreg [dreg:$0xf];
	[sflag:s13] =	ssyncadd.s32 $0xFFFFFC80;
	s24 =	sshrl.u32 s15, $0x3  }
0x271: {  	[hbm:s25], [sflag:s10] =	dma.local [spmem:s24], $0x380  }
0x272: {  	_ =	swait.ge [sflag:s13], $0x380  }
0x273: {  	[sflag:s13] =	ssyncset.done $0x0;
	s17 =	rddreg [dreg:$0x16]  }
0x274: {  	s28 =	rddreg [dreg:$0x10];
	[sflag:s13] =	ssyncadd.s32 $0xFFFFFC80;
	s26 =	sshrl.u32 s17, $0x3  }
0x275: {  	[hbm:s28], [sflag:s10] =	dma.local [spmem:s26], $0x380  }
0x276: {  	_ =	swait.ge [sflag:s13], $0x380  }
0x277: {  	s9 =	sadd.s32 $0x1, s9;
	s29 =	rddreg [dreg:$0x17]  }
0x278: {  	p0 =	sne.s32 s9, s29  }
.Ltmp4:
0x279: {  	_ = 	snop;
	(pc) =	sbr.rel @p0 .LBB2_1-.Ltmp4, $3  }
0x27a: {  	_ =	sdelay $0x1  }
0x27b: {  	[sflag:s13] =	ssyncset.done $0x0  }
0x27c: {  	s12 =	simm.s32 $0x4E30;
	[sflag:s13] =	ssyncadd.s32 $0xFFFFFC80  }
0x27d: {  	_ =	sfence.sel $0x180000  }
0x27e: {  	[bflag:$0x0] =	sbarrier.arrive $0xFFFF  }
0x27f: {  	_ =	strace $0x90000047  }
0x280: {  	s0 =	stileid.u32;
	[bflag:$0x2] =	sbarrier.arrive $0xFFFF  }
0x281: {  	p0 =	sne.s32 s0, $0x0;
	s0 =	rddreg [dreg:$0x6]  }
0x282: {  	s0 =	sadd.s32 @!p0 $0x100000, s0  }
0x283: {  	[sflag:s0] =	ssyncadd.tile.s32 @!p0 $0x1;
	_ =	shalt  }
.Lfunc_end2:
_tile_overlayer_lowered:
.L_overlay_start_2:
0x284: {  	(tag) =	ssettag $0x2  }
0x285: {  	s0 =	rddreg [dreg:$0x0];
	s2 =	stileid.u32  }
0x286: {  	s1 =	rddreg [dreg:$0x1];
	p0 =	sne.s32 s2, $0x0  }
0x287: {  	s3 =	rddreg [dreg:$0x2];
	[bflag:$0x3] =	sbarrier.arrive $0xFFFF;
	s2 =	simm.s32 @!p0 $0x1C03  }
0x288: {  	[timem:s3], [sflag:s2] =	dma.local @!p0 [hbm:s0], s1  }
0x289: {  	s0 =	simm.s32 @!p0 $0x3  }
0x28a: {  	_ =	swait.ge @!p0 [sflag:s0], s1  }
0x28b: {  	s1 =	ssub.s32 @!p0 $0x0, s1;
	[sflag:s0] =	ssyncset.done @!p0 $0x0  }
0x28c: {  	[sflag:s0] =	ssyncadd.s32 @!p0 s1  }
0x28d: {  	[bflag:$0x3] =	sbarrier.arrive $0xFFFF  }
0x28e: {  	_ =	shalt  }

</sc_bundles>
